<compile_context>
chip_gen: v7x
topology: tpu7x:2x2x1
jax: 0.10.2.dev20260603
libtpu: 0.0.44.dev20260713+nightly
codegen_flags: <defaults>
</compile_context>

<pallas_src>
import functools

import jax
import jax.numpy as jnp
from jax import lax
from jax.experimental import pallas as pl
from jax.experimental.pallas import tpu as pltpu
from jax.experimental.pallas import tpu_sc as plsc

NUM_EDGES = 320000
DIM = 128
NUM_TYPES = 64

_info = plsc.get_sparse_core_info()
NC = _info.num_cores
NS = _info.num_subcores
NW = NC * NS
ROWS_PER_W = NUM_EDGES // NW
CHUNK = 200
NCHUNK = ROWS_PER_W // CHUNK
NBUF = 4
DEPTH = 2


def _sc_body(emb_hbm, idx_hbm, table_hbm, out_hbm, *refs):
    ebuf = refs[0:NBUF]
    idx_all = refs[NBUF]
    tbl_v = refs[NBUF + 1]
    sem_p = refs[NBUF + 2:NBUF + 2 + NBUF]
    sem_w = refs[NBUF + 2 + NBUF:NBUF + 2 + 2 * NBUF]
    sem_g = refs[NBUF + 2 + 2 * NBUF]
    sem_i = refs[NBUF + 2 + 2 * NBUF + 1]

    wid = lax.axis_index("s") * NC + lax.axis_index("c")
    base0 = wid * ROWS_PER_W

    def prefetch(ci, b):
        base = base0 + ci * CHUNK
        pltpu.async_copy(emb_hbm.at[pl.ds(base, CHUNK)], ebuf[b], sem_p[b])

    def wait_prefetch(b):
        pltpu.make_async_copy(emb_hbm.at[pl.ds(0, CHUNK)], ebuf[b], sem_p[b]).wait()

    def wait_writeback(b):
        pltpu.make_async_copy(ebuf[b], out_hbm.at[pl.ds(0, CHUNK)], sem_w[b]).wait()

    def process(ci, b):
        wait_prefetch(b)
        pltpu.async_copy(
            tbl_v.at[idx_all.at[pl.ds(ci * CHUNK, CHUNK)]],
            ebuf[b], sem_g, add=True,
        ).wait()
        base = base0 + ci * CHUNK
        pltpu.async_copy(ebuf[b], out_hbm.at[pl.ds(base, CHUNK)], sem_w[b])

    pltpu.async_copy(idx_hbm.at[pl.ds(base0, ROWS_PER_W)], idx_all, sem_i)
    for j in range(DEPTH):
        prefetch(j, j)

    @pl.when(lax.axis_index("s") == 0)
    def _():
        pltpu.sync_copy(table_hbm, tbl_v)

    plsc.subcore_barrier()
    pltpu.make_async_copy(idx_hbm.at[pl.ds(0, ROWS_PER_W)], idx_all, sem_i).wait()

    def body(i, carry):
        for b0 in range(NBUF):
            ci = NBUF * i + b0

            @pl.when(ci + DEPTH < NCHUNK)
            def _():
                tb = (b0 + DEPTH) % NBUF

                @pl.when(ci + DEPTH >= NBUF)
                def _():
                    wait_writeback(tb)

                prefetch(ci + DEPTH, tb)

            process(ci, b0)
        return carry

    lax.fori_loop(0, NCHUNK // NBUF, body, 0)
    for ci in range(NBUF * (NCHUNK // NBUF), NCHUNK):
        cj = ci + DEPTH
        if cj < NCHUNK:
            if cj >= NBUF:
                wait_writeback(cj % NBUF)
            prefetch(cj, cj % NBUF)
        process(ci, ci % NBUF)
    for b in range(min(NBUF, NCHUNK)):
        wait_writeback(b)


@functools.partial(jax.jit, donate_argnums=())
def _sc_call(embeddings, idx, table):
    mesh = plsc.VectorSubcoreMesh(core_axis_name="c", subcore_axis_name="s")
    scratch = (
        [pltpu.VMEM((CHUNK, DIM), jnp.float32) for _ in range(NBUF)]
        + [pltpu.VMEM((ROWS_PER_W,), jnp.int32)]
        + [pltpu.VMEM_SHARED((NUM_TYPES, DIM), jnp.float32)]
        + [pltpu.SemaphoreType.DMA for _ in range(2 * NBUF + 2)]
    )
    f = pl.kernel(
        _sc_body,
        mesh=mesh,
        out_type=jax.ShapeDtypeStruct((NUM_EDGES, DIM), jnp.float32),
        scratch_types=scratch,
    )
    return f(embeddings, idx, table)


def kernel(embeddings, condensed_edge_types, edge_type_table):
    idx = condensed_edge_types.astype(jnp.int32)
    return _sc_call(embeddings, idx, edge_type_table)

# --- scband reference (transcript-rebuilt; emitter-appended) ---
"""Pipeline reference for scband-translation-operator-27943057227895 (READ-ONLY COPY).

The authoritative reference and input builder live on the scoring server;
editing this copy changes nothing except your own understanding.
"""

import jax, jax.numpy as jnp
import numpy as np

NUM_EDGE_TYPES = 64
NODE_EMB_DIM = 128
NUM_EDGES = 320000


def setup_inputs(seed: int = 0) -> dict:
    key = jax.random.key(seed)
    k_emb, k_types, k_table = jax.random.split(key, 3)
    embeddings = jax.random.normal(k_emb, (NUM_EDGES, NODE_EMB_DIM), dtype=jnp.float32)
    condensed_edge_types = jax.random.randint(k_types, (NUM_EDGES,), 0, NUM_EDGE_TYPES, dtype=jnp.int64 if jax.config.jax_enable_x64 else jnp.int32)
    # Learned parameter: edge-type embedding table (nn.Embedding default init ~ N(0,1))
    edge_type_table = jax.random.normal(k_table, (NUM_EDGE_TYPES, NODE_EMB_DIM), dtype=jnp.float32)
    return {
        "embeddings": embeddings,
        "condensed_edge_types": condensed_edge_types,
        "edge_type_table": edge_type_table,
    }


def reference(embeddings, condensed_edge_types, edge_type_table):
    # TranslationOperator.forward:
    #   edge_type_embeddings = self.edge_type_embeddings(condensed_edge_types)
    #   return embeddings + edge_type_embeddings
    edge_type_embeddings = jnp.take(edge_type_table, condensed_edge_types, axis=0)
    return embeddings + edge_type_embeddings

if __name__ == "__main__":
    import jax
    _d = setup_inputs()
    print(jax.jit(kernel)(*tuple(_d.values())))

</pallas_src>

<mosaic_0001>
#map = affine_map<(d0, d1) -> (0, 0)>
#map1 = affine_map<(d0, d1) -> (0)>
module attributes {stable_mosaic.version = 14 : i64} {
  func.func @_sc_body(%arg0: i32, %arg1: i32, %arg2: memref<320000x128xf32, #tpu.memory_space<hbm>>, %arg3: memref<320000xi32, #tpu.memory_space<hbm>>, %arg4: memref<64x128xf32, #tpu.memory_space<hbm>>, %arg5: memref<320000x128xf32, #tpu.memory_space<hbm>>, %arg6: memref<200x128xf32, #tpu.memory_space<vmem>>, %arg7: memref<200x128xf32, #tpu.memory_space<vmem>>, %arg8: memref<200x128xf32, #tpu.memory_space<vmem>>, %arg9: memref<200x128xf32, #tpu.memory_space<vmem>>, %arg10: memref<10000xi32, #tpu.memory_space<vmem>>, %arg11: memref<64x128xf32, #tpu.memory_space<vmem_shared>>, %arg12: memref<!tpu.dma_semaphore, #tpu.memory_space<semaphore_mem>>, %arg13: memref<!tpu.dma_semaphore, #tpu.memory_space<semaphore_mem>>, %arg14: memref<!tpu.dma_semaphore, #tpu.memory_space<semaphore_mem>>, %arg15: memref<!tpu.dma_semaphore, #tpu.memory_space<semaphore_mem>>, %arg16: memref<!tpu.dma_semaphore, #tpu.memory_space<semaphore_mem>>, %arg17: memref<!tpu.dma_semaphore, #tpu.memory_space<semaphore_mem>>, %arg18: memref<!tpu.dma_semaphore, #tpu.memory_space<semaphore_mem>>, %arg19: memref<!tpu.dma_semaphore, #tpu.memory_space<semaphore_mem>>, %arg20: memref<!tpu.dma_semaphore, #tpu.memory_space<semaphore_mem>>, %arg21: memref<!tpu.dma_semaphore, #tpu.memory_space<semaphore_mem>>) attributes {dimension_semantics = [#tpu.dimension_semantics<core_parallel>, #tpu.dimension_semantics<subcore_parallel>], iteration_bounds = array<i64: 2, 16>, scalar_prefetch = 0 : i64, scratch_operands = 16 : i64, tpu.core_type = #tpu.core_type<sc_vector_subcore>, window_params = [{transform_indices = #map}, {transform_indices = #map1}, {transform_indices = #map}, {transform_indices = #map}]} {
    %mul3A = arith.constant 2 : i32
    %mul3A_0 = arith.muli %arg1, %mul3A : i32
    %add3A = arith.addi %mul3A_0, %arg0 : i32
    %mul3A_1 = arith.constant 10000 : i32
    %mul3A_2 = arith.muli %add3A, %mul3A_1 : i32
    %dma_start3A = tpu.memref_slice %arg3[%mul3A_2] : memref<320000xi32, #tpu.memory_space<hbm>> -> memref<10000xi32, #tpu.memory_space<hbm>>
    %dma_start3A_3 = tpu.memref_slice %arg3[%mul3A_2] : memref<320000xi32, #tpu.memory_space<hbm>> -> memref<10000xi32, #tpu.memory_space<hbm>>
    tpu.enqueue_dma source(%dma_start3A_3 : memref<10000xi32, #tpu.memory_space<hbm>>) target(%arg10 : memref<10000xi32, #tpu.memory_space<vmem>>) target_semaphore(%arg21 : memref<!tpu.dma_semaphore, #tpu.memory_space<semaphore_mem>>)
    %add3A_4 = arith.constant 0 : i32
    %add3A_5 = arith.addi %mul3A_2, %add3A_4 : i32
    %dma_start3A_6 = arith.constant 0 : i32
    %dma_start3A_7 = tpu.memref_slice %arg2[%add3A_5, %dma_start3A_6] : memref<320000x128xf32, #tpu.memory_space<hbm>> -> memref<200x128xf32, #tpu.memory_space<hbm>>
    %dma_start3A_8 = arith.constant 0 : i32
    %dma_start3A_9 = tpu.memref_slice %arg2[%add3A_5, %dma_start3A_8] : memref<320000x128xf32, #tpu.memory_space<hbm>> -> memref<200x128xf32, #tpu.memory_space<hbm>>
    tpu.enqueue_dma source(%dma_start3A_9 : memref<200x128xf32, #tpu.memory_space<hbm>>) target(%arg6 : memref<200x128xf32, #tpu.memory_space<vmem>>) target_semaphore(%arg12 : memref<!tpu.dma_semaphore, #tpu.memory_space<semaphore_mem>>)
    %add3A_10 = arith.constant 200 : i32
    %add3A_11 = arith.addi %mul3A_2, %add3A_10 : i32
    %dma_start3A_12 = arith.constant 0 : i32
    %dma_start3A_13 = tpu.memref_slice %arg2[%add3A_11, %dma_start3A_12] : memref<320000x128xf32, #tpu.memory_space<hbm>> -> memref<200x128xf32, #tpu.memory_space<hbm>>
    %dma_start3A_14 = arith.constant 0 : i32
    %dma_start3A_15 = tpu.memref_slice %arg2[%add3A_11, %dma_start3A_14] : memref<320000x128xf32, #tpu.memory_space<hbm>> -> memref<200x128xf32, #tpu.memory_space<hbm>>
    tpu.enqueue_dma source(%dma_start3A_15 : memref<200x128xf32, #tpu.memory_space<hbm>>) target(%arg7 : memref<200x128xf32, #tpu.memory_space<vmem>>) target_semaphore(%arg13 : memref<!tpu.dma_semaphore, #tpu.memory_space<semaphore_mem>>)
    %eq3A = arith.constant 0 : i32
    %eq3A_16 = arith.cmpi eq, %arg1, %eq3A : i32
    %convert_element_type3A = arith.extui %eq3A_16 : i1 to i32
    %cond3A = arith.constant 0 : i32
    %cond3A_17 = arith.cmpi ne, %convert_element_type3A, %cond3A : i32
    scf.if %cond3A_17 {
      "tpu.region"() ({
        %run_scoped3A = tpu.sem_alloc : memref<!tpu.dma_semaphore, #tpu.memory_space<semaphore_mem>>
        tpu.enqueue_dma source(%arg4 : memref<64x128xf32, #tpu.memory_space<hbm>>) target(%arg11 : memref<64x128xf32, #tpu.memory_space<vmem_shared>>) target_semaphore(%run_scoped3A : memref<!tpu.dma_semaphore, #tpu.memory_space<semaphore_mem>>)
        tpu.wait_dma2 semaphore(%run_scoped3A : memref<!tpu.dma_semaphore, #tpu.memory_space<semaphore_mem>>) src(%arg4 : memref<64x128xf32, #tpu.memory_space<hbm>>) dst(%arg11 : memref<64x128xf32, #tpu.memory_space<vmem_shared>>)
        tpu.yield
      }) : () -> ()
    } else {
    }
    %barrier3A = arith.constant 0 : index
    tpu.barrier barrier_id(%barrier3A)
    %dma_wait3A = arith.constant 0 : i32
    %dma_wait3A_18 = tpu.memref_slice %arg3[%dma_wait3A] : memref<320000xi32, #tpu.memory_space<hbm>> -> memref<10000xi32, #tpu.memory_space<hbm>>
    %dma_wait3A_19 = arith.constant 0 : i32
    %dma_wait3A_20 = tpu.memref_slice %arg3[%dma_wait3A_19] : memref<320000xi32, #tpu.memory_space<hbm>> -> memref<10000xi32, #tpu.memory_space<hbm>>
    tpu.wait_dma2 semaphore(%arg21 : memref<!tpu.dma_semaphore, #tpu.memory_space<semaphore_mem>>) src(%dma_wait3A_20 : memref<10000xi32, #tpu.memory_space<hbm>>) dst(%arg10 : memref<10000xi32, #tpu.memory_space<vmem>>)
    %scan3A = arith.constant 0 : i32
    %scan3A_21 = arith.constant 0 : i32
    %scan3A_22 = arith.constant 12 : i32
    %scan3A_23 = arith.addi %scan3A_21, %scan3A_22 : i32
    %scan3A_24 = arith.constant 1 : i32
    scf.for %scan3A_94 = %scan3A_21 to %scan3A_23 step %scan3A_24  : i32 {
      %mul3A_95 = arith.constant 4 : i32
      %mul3A_96 = arith.muli %mul3A_95, %scan3A_94 : i32
      %add3A_97 = arith.constant 0 : i32
      %add3A_98 = arith.addi %mul3A_96, %add3A_97 : i32
      %add3A_99 = arith.constant 2 : i32
      %add3A_100 = arith.addi %add3A_98, %add3A_99 : i32
      %lt3A = arith.constant 50 : i32
      %lt3A_101 = arith.cmpi slt, %add3A_100, %lt3A : i32
      %convert_element_type3A_102 = arith.extui %lt3A_101 : i1 to i32
      %cond3A_103 = arith.constant 0 : i32
      %cond3A_104 = arith.cmpi ne, %convert_element_type3A_102, %cond3A_103 : i32
      scf.if %cond3A_104 {
        %add3A_230 = arith.constant 2 : i32
        %add3A_231 = arith.addi %add3A_98, %add3A_230 : i32
        %ge3A = arith.constant 4 : i32
        %ge3A_232 = arith.cmpi sge, %add3A_231, %ge3A : i32
        %convert_element_type3A_233 = arith.extui %ge3A_232 : i1 to i32
        %cond3A_234 = arith.constant 0 : i32
        %cond3A_235 = arith.cmpi ne, %convert_element_type3A_233, %cond3A_234 : i32
        scf.if %cond3A_235 {
          %dma_wait3A_245 = arith.constant 0 : i32
          %dma_wait3A_246 = arith.constant 0 : i32
          %dma_wait3A_247 = tpu.memref_slice %arg5[%dma_wait3A_245, %dma_wait3A_246] : memref<320000x128xf32, #tpu.memory_space<hbm>> -> memref<200x128xf32, #tpu.memory_space<hbm>>
          %dma_wait3A_248 = arith.constant 0 : i32
          %dma_wait3A_249 = arith.constant 0 : i32
          %dma_wait3A_250 = tpu.memref_slice %arg5[%dma_wait3A_248, %dma_wait3A_249] : memref<320000x128xf32, #tpu.memory_space<hbm>> -> memref<200x128xf32, #tpu.memory_space<hbm>>
          tpu.wait_dma2 semaphore(%arg18 : memref<!tpu.dma_semaphore, #tpu.memory_space<semaphore_mem>>) src(%arg8 : memref<200x128xf32, #tpu.memory_space<vmem>>) dst(%dma_wait3A_250 : memref<200x128xf32, #tpu.memory_space<hbm>>)
        } else {
        }
        %add3A_236 = arith.constant 2 : i32
        %add3A_237 = arith.addi %add3A_98, %add3A_236 : i32
        %mul3A_238 = arith.constant 200 : i32
        %mul3A_239 = arith.muli %add3A_237, %mul3A_238 : i32
        %add3A_240 = arith.addi %mul3A_2, %mul3A_239 : i32
        %dma_start3A_241 = arith.constant 0 : i32
        %dma_start3A_242 = tpu.memref_slice %arg2[%add3A_240, %dma_start3A_241] : memref<320000x128xf32, #tpu.memory_space<hbm>> -> memref<200x128xf32, #tpu.memory_space<hbm>>
        %dma_start3A_243 = arith.constant 0 : i32
        %dma_start3A_244 = tpu.memref_slice %arg2[%add3A_240, %dma_start3A_243] : memref<320000x128xf32, #tpu.memory_space<hbm>> -> memref<200x128xf32, #tpu.memory_space<hbm>>
        tpu.enqueue_dma source(%dma_start3A_244 : memref<200x128xf32, #tpu.memory_space<hbm>>) target(%arg8 : memref<200x128xf32, #tpu.memory_space<vmem>>) target_semaphore(%arg14 : memref<!tpu.dma_semaphore, #tpu.memory_space<semaphore_mem>>)
      } else {
      }
      %dma_wait3A_105 = arith.constant 0 : i32
      %dma_wait3A_106 = arith.constant 0 : i32
      %dma_wait3A_107 = tpu.memref_slice %arg2[%dma_wait3A_105, %dma_wait3A_106] : memref<320000x128xf32, #tpu.memory_space<hbm>> -> memref<200x128xf32, #tpu.memory_space<hbm>>
      %dma_wait3A_108 = arith.constant 0 : i32
      %dma_wait3A_109 = arith.constant 0 : i32
      %dma_wait3A_110 = tpu.memref_slice %arg2[%dma_wait3A_108, %dma_wait3A_109] : memref<320000x128xf32, #tpu.memory_space<hbm>> -> memref<200x128xf32, #tpu.memory_space<hbm>>
      tpu.wait_dma2 semaphore(%arg12 : memref<!tpu.dma_semaphore, #tpu.memory_space<semaphore_mem>>) src(%dma_wait3A_110 : memref<200x128xf32, #tpu.memory_space<hbm>>) dst(%arg6 : memref<200x128xf32, #tpu.memory_space<vmem>>)
      %mul3A_111 = arith.constant 200 : i32
      %mul3A_112 = arith.muli %add3A_98, %mul3A_111 : i32
      %dma_start3A_113 = tpu.memref_slice %arg10[%mul3A_112] : memref<10000xi32, #tpu.memory_space<vmem>> -> memref<200xi32, #tpu.memory_space<vmem>>
      %dma_start3A_114 = arith.constant 0 : i32
      %dma_start3A_115 = arith.constant 0 : i32
      %dma_start3A_116 = tpu.memref_slice %arg11[%dma_start3A_114, %dma_start3A_115] : memref<64x128xf32, #tpu.memory_space<vmem_shared>> -> memref<64x128xf32, #tpu.memory_space<vmem_shared>>
      tpu.enqueue_indirect_dma source(%dma_start3A_116 : memref<64x128xf32, #tpu.memory_space<vmem_shared>>) target(%arg6 : memref<200x128xf32, #tpu.memory_space<vmem>>) offsets(%dma_start3A_113 : memref<200xi32, #tpu.memory_space<vmem>>) semaphore(%arg20 : memref<!tpu.dma_semaphore, #tpu.memory_space<semaphore_mem>>) {add = true}
      %dma_wait3A_117 = tpu.memref_slice %arg10[%mul3A_112] : memref<10000xi32, #tpu.memory_space<vmem>> -> memref<200xi32, #tpu.memory_space<vmem>>
      %dma_wait3A_118 = arith.constant 0 : i32
      %dma_wait3A_119 = arith.constant 0 : i32
      %dma_wait3A_120 = tpu.memref_slice %arg11[%dma_wait3A_118, %dma_wait3A_119] : memref<64x128xf32, #tpu.memory_space<vmem_shared>> -> memref<64x128xf32, #tpu.memory_space<vmem_shared>>
      tpu.wait_indirect_dma semaphore(%arg20 : memref<!tpu.dma_semaphore, #tpu.memory_space<semaphore_mem>>) src(%dma_wait3A_120 : memref<64x128xf32, #tpu.memory_space<vmem_shared>>) dst(%arg6 : memref<200x128xf32, #tpu.memory_space<vmem>>)
      %mul3A_121 = arith.constant 200 : i32
      %mul3A_122 = arith.muli %add3A_98, %mul3A_121 : i32
      %add3A_123 = arith.addi %mul3A_2, %mul3A_122 : i32
      %dma_start3A_124 = arith.constant 0 : i32
      %dma_start3A_125 = tpu.memref_slice %arg5[%add3A_123, %dma_start3A_124] : memref<320000x128xf32, #tpu.memory_space<hbm>> -> memref<200x128xf32, #tpu.memory_space<hbm>>
      %dma_start3A_126 = arith.constant 0 : i32
      %dma_start3A_127 = tpu.memref_slice %arg5[%add3A_123, %dma_start3A_126] : memref<320000x128xf32, #tpu.memory_space<hbm>> -> memref<200x128xf32, #tpu.memory_space<hbm>>
      tpu.enqueue_dma source(%arg6 : memref<200x128xf32, #tpu.memory_space<vmem>>) target(%dma_start3A_127 : memref<200x128xf32, #tpu.memory_space<hbm>>) target_semaphore(%arg16 : memref<!tpu.dma_semaphore, #tpu.memory_space<semaphore_mem>>)
      %mul3A_128 = arith.constant 4 : i32
      %mul3A_129 = arith.muli %mul3A_128, %scan3A_94 : i32
      %add3A_130 = arith.constant 1 : i32
      %add3A_131 = arith.addi %mul3A_129, %add3A_130 : i32
      %add3A_132 = arith.constant 2 : i32
      %add3A_133 = arith.addi %add3A_131, %add3A_132 : i32
      %lt3A_134 = arith.constant 50 : i32
      %lt3A_135 = arith.cmpi slt, %add3A_133, %lt3A_134 : i32
      %convert_element_type3A_136 = arith.extui %lt3A_135 : i1 to i32
      %cond3A_137 = arith.constant 0 : i32
      %cond3A_138 = arith.cmpi ne, %convert_element_type3A_136, %cond3A_137 : i32
      scf.if %cond3A_138 {
        %add3A_230 = arith.constant 2 : i32
        %add3A_231 = arith.addi %add3A_131, %add3A_230 : i32
        %ge3A = arith.constant 4 : i32
        %ge3A_232 = arith.cmpi sge, %add3A_231, %ge3A : i32
        %convert_element_type3A_233 = arith.extui %ge3A_232 : i1 to i32
        %cond3A_234 = arith.constant 0 : i32
        %cond3A_235 = arith.cmpi ne, %convert_element_type3A_233, %cond3A_234 : i32
        scf.if %cond3A_235 {
          %dma_wait3A_245 = arith.constant 0 : i32
          %dma_wait3A_246 = arith.constant 0 : i32
          %dma_wait3A_247 = tpu.memref_slice %arg5[%dma_wait3A_245, %dma_wait3A_246] : memref<320000x128xf32, #tpu.memory_space<hbm>> -> memref<200x128xf32, #tpu.memory_space<hbm>>
          %dma_wait3A_248 = arith.constant 0 : i32
          %dma_wait3A_249 = arith.constant 0 : i32
          %dma_wait3A_250 = tpu.memref_slice %arg5[%dma_wait3A_248, %dma_wait3A_249] : memref<320000x128xf32, #tpu.memory_space<hbm>> -> memref<200x128xf32, #tpu.memory_space<hbm>>
          tpu.wait_dma2 semaphore(%arg19 : memref<!tpu.dma_semaphore, #tpu.memory_space<semaphore_mem>>) src(%arg9 : memref<200x128xf32, #tpu.memory_space<vmem>>) dst(%dma_wait3A_250 : memref<200x128xf32, #tpu.memory_space<hbm>>)
        } else {
        }
        %add3A_236 = arith.constant 2 : i32
        %add3A_237 = arith.addi %add3A_131, %add3A_236 : i32
        %mul3A_238 = arith.constant 200 : i32
        %mul3A_239 = arith.muli %add3A_237, %mul3A_238 : i32
        %add3A_240 = arith.addi %mul3A_2, %mul3A_239 : i32
        %dma_start3A_241 = arith.constant 0 : i32
        %dma_start3A_242 = tpu.memref_slice %arg2[%add3A_240, %dma_start3A_241] : memref<320000x128xf32, #tpu.memory_space<hbm>> -> memref<200x128xf32, #tpu.memory_space<hbm>>
        %dma_start3A_243 = arith.constant 0 : i32
        %dma_start3A_244 = tpu.memref_slice %arg2[%add3A_240, %dma_start3A_243] : memref<320000x128xf32, #tpu.memory_space<hbm>> -> memref<200x128xf32, #tpu.memory_space<hbm>>
        tpu.enqueue_dma source(%dma_start3A_244 : memref<200x128xf32, #tpu.memory_space<hbm>>) target(%arg9 : memref<200x128xf32, #tpu.memory_space<vmem>>) target_semaphore(%arg15 : memref<!tpu.dma_semaphore, #tpu.memory_space<semaphore_mem>>)
      } else {
      }
      %dma_wait3A_139 = arith.constant 0 : i32
      %dma_wait3A_140 = arith.constant 0 : i32
      %dma_wait3A_141 = tpu.memref_slice %arg2[%dma_wait3A_139, %dma_wait3A_140] : memref<320000x128xf32, #tpu.memory_space<hbm>> -> memref<200x128xf32, #tpu.memory_space<hbm>>
      %dma_wait3A_142 = arith.constant 0 : i32
      %dma_wait3A_143 = arith.constant 0 : i32
      %dma_wait3A_144 = tpu.memref_slice %arg2[%dma_wait3A_142, %dma_wait3A_143] : memref<320000x128xf32, #tpu.memory_space<hbm>> -> memref<200x128xf32, #tpu.memory_space<hbm>>
      tpu.wait_dma2 semaphore(%arg13 : memref<!tpu.dma_semaphore, #tpu.memory_space<semaphore_mem>>) src(%dma_wait3A_144 : memref<200x128xf32, #tpu.memory_space<hbm>>) dst(%arg7 : memref<200x128xf32, #tpu.memory_space<vmem>>)
      %mul3A_145 = arith.constant 200 : i32
      %mul3A_146 = arith.muli %add3A_131, %mul3A_145 : i32
      %dma_start3A_147 = tpu.memref_slice %arg10[%mul3A_146] : memref<10000xi32, #tpu.memory_space<vmem>> -> memref<200xi32, #tpu.memory_space<vmem>>
      %dma_start3A_148 = arith.constant 0 : i32
      %dma_start3A_149 = arith.constant 0 : i32
      %dma_start3A_150 = tpu.memref_slice %arg11[%dma_start3A_148, %dma_start3A_149] : memref<64x128xf32, #tpu.memory_space<vmem_shared>> -> memref<64x128xf32, #tpu.memory_space<vmem_shared>>
      tpu.enqueue_indirect_dma source(%dma_start3A_150 : memref<64x128xf32, #tpu.memory_space<vmem_shared>>) target(%arg7 : memref<200x128xf32, #tpu.memory_space<vmem>>) offsets(%dma_start3A_147 : memref<200xi32, #tpu.memory_space<vmem>>) semaphore(%arg20 : memref<!tpu.dma_semaphore, #tpu.memory_space<semaphore_mem>>) {add = true}
      %dma_wait3A_151 = tpu.memref_slice %arg10[%mul3A_146] : memref<10000xi32, #tpu.memory_space<vmem>> -> memref<200xi32, #tpu.memory_space<vmem>>
      %dma_wait3A_152 = arith.constant 0 : i32
      %dma_wait3A_153 = arith.constant 0 : i32
      %dma_wait3A_154 = tpu.memref_slice %arg11[%dma_wait3A_152, %dma_wait3A_153] : memref<64x128xf32, #tpu.memory_space<vmem_shared>> -> memref<64x128xf32, #tpu.memory_space<vmem_shared>>
      tpu.wait_indirect_dma semaphore(%arg20 : memref<!tpu.dma_semaphore, #tpu.memory_space<semaphore_mem>>) src(%dma_wait3A_154 : memref<64x128xf32, #tpu.memory_space<vmem_shared>>) dst(%arg7 : memref<200x128xf32, #tpu.memory_space<vmem>>)
      %mul3A_155 = arith.constant 200 : i32
      %mul3A_156 = arith.muli %add3A_131, %mul3A_155 : i32
      %add3A_157 = arith.addi %mul3A_2, %mul3A_156 : i32
      %dma_start3A_158 = arith.constant 0 : i32
      %dma_start3A_159 = tpu.memref_slice %arg5[%add3A_157, %dma_start3A_158] : memref<320000x128xf32, #tpu.memory_space<hbm>> -> memref<200x128xf32, #tpu.memory_space<hbm>>
      %dma_start3A_160 = arith.constant 0 : i32
      %dma_start3A_161 = tpu.memref_slice %arg5[%add3A_157, %dma_start3A_160] : memref<320000x128xf32, #tpu.memory_space<hbm>> -> memref<200x128xf32, #tpu.memory_space<hbm>>
      tpu.enqueue_dma source(%arg7 : memref<200x128xf32, #tpu.memory_space<vmem>>) target(%dma_start3A_161 : memref<200x128xf32, #tpu.memory_space<hbm>>) target_semaphore(%arg17 : memref<!tpu.dma_semaphore, #tpu.memory_space<semaphore_mem>>)
      %mul3A_162 = arith.constant 4 : i32
      %mul3A_163 = arith.muli %mul3A_162, %scan3A_94 : i32
      %add3A_164 = arith.constant 2 : i32
      %add3A_165 = arith.addi %mul3A_163, %add3A_164 : i32
      %add3A_166 = arith.constant 2 : i32
      %add3A_167 = arith.addi %add3A_165, %add3A_166 : i32
      %lt3A_168 = arith.constant 50 : i32
      %lt3A_169 = arith.cmpi slt, %add3A_167, %lt3A_168 : i32
      %convert_element_type3A_170 = arith.extui %lt3A_169 : i1 to i32
      %cond3A_171 = arith.constant 0 : i32
      %cond3A_172 = arith.cmpi ne, %convert_element_type3A_170, %cond3A_171 : i32
      scf.if %cond3A_172 {
        %add3A_230 = arith.constant 2 : i32
        %add3A_231 = arith.addi %add3A_165, %add3A_230 : i32
        %ge3A = arith.constant 4 : i32
        %ge3A_232 = arith.cmpi sge, %add3A_231, %ge3A : i32
        %convert_element_type3A_233 = arith.extui %ge3A_232 : i1 to i32
        %cond3A_234 = arith.constant 0 : i32
        %cond3A_235 = arith.cmpi ne, %convert_element_type3A_233, %cond3A_234 : i32
        scf.if %cond3A_235 {
          %dma_wait3A_245 = arith.constant 0 : i32
          %dma_wait3A_246 = arith.constant 0 : i32
          %dma_wait3A_247 = tpu.memref_slice %arg5[%dma_wait3A_245, %dma_wait3A_246] : memref<320000x128xf32, #tpu.memory_space<hbm>> -> memref<200x128xf32, #tpu.memory_space<hbm>>
          %dma_wait3A_248 = arith.constant 0 : i32
          %dma_wait3A_249 = arith.constant 0 : i32
          %dma_wait3A_250 = tpu.memref_slice %arg5[%dma_wait3A_248, %dma_wait3A_249] : memref<320000x128xf32, #tpu.memory_space<hbm>> -> memref<200x128xf32, #tpu.memory_space<hbm>>
          tpu.wait_dma2 semaphore(%arg16 : memref<!tpu.dma_semaphore, #tpu.memory_space<semaphore_mem>>) src(%arg6 : memref<200x128xf32, #tpu.memory_space<vmem>>) dst(%dma_wait3A_250 : memref<200x128xf32, #tpu.memory_space<hbm>>)
        } else {
        }
        %add3A_236 = arith.constant 2 : i32
        %add3A_237 = arith.addi %add3A_165, %add3A_236 : i32
        %mul3A_238 = arith.constant 200 : i32
        %mul3A_239 = arith.muli %add3A_237, %mul3A_238 : i32
        %add3A_240 = arith.addi %mul3A_2, %mul3A_239 : i32
        %dma_start3A_241 = arith.constant 0 : i32
        %dma_start3A_242 = tpu.memref_slice %arg2[%add3A_240, %dma_start3A_241] : memref<320000x128xf32, #tpu.memory_space<hbm>> -> memref<200x128xf32, #tpu.memory_space<hbm>>
        %dma_start3A_243 = arith.constant 0 : i32
        %dma_start3A_244 = tpu.memref_slice %arg2[%add3A_240, %dma_start3A_243] : memref<320000x128xf32, #tpu.memory_space<hbm>> -> memref<200x128xf32, #tpu.memory_space<hbm>>
        tpu.enqueue_dma source(%dma_start3A_244 : memref<200x128xf32, #tpu.memory_space<hbm>>) target(%arg6 : memref<200x128xf32, #tpu.memory_space<vmem>>) target_semaphore(%arg12 : memref<!tpu.dma_semaphore, #tpu.memory_space<semaphore_mem>>)
      } else {
      }
      %dma_wait3A_173 = arith.constant 0 : i32
      %dma_wait3A_174 = arith.constant 0 : i32
      %dma_wait3A_175 = tpu.memref_slice %arg2[%dma_wait3A_173, %dma_wait3A_174] : memref<320000x128xf32, #tpu.memory_space<hbm>> -> memref<200x128xf32, #tpu.memory_space<hbm>>
      %dma_wait3A_176 = arith.constant 0 : i32
      %dma_wait3A_177 = arith.constant 0 : i32
      %dma_wait3A_178 = tpu.memref_slice %arg2[%dma_wait3A_176, %dma_wait3A_177] : memref<320000x128xf32, #tpu.memory_space<hbm>> -> memref<200x128xf32, #tpu.memory_space<hbm>>
      tpu.wait_dma2 semaphore(%arg14 : memref<!tpu.dma_semaphore, #tpu.memory_space<semaphore_mem>>) src(%dma_wait3A_178 : memref<200x128xf32, #tpu.memory_space<hbm>>) dst(%arg8 : memref<200x128xf32, #tpu.memory_space<vmem>>)
      %mul3A_179 = arith.constant 200 : i32
      %mul3A_180 = arith.muli %add3A_165, %mul3A_179 : i32
      %dma_start3A_181 = tpu.memref_slice %arg10[%mul3A_180] : memref<10000xi32, #tpu.memory_space<vmem>> -> memref<200xi32, #tpu.memory_space<vmem>>
      %dma_start3A_182 = arith.constant 0 : i32
      %dma_start3A_183 = arith.constant 0 : i32
      %dma_start3A_184 = tpu.memref_slice %arg11[%dma_start3A_182, %dma_start3A_183] : memref<64x128xf32, #tpu.memory_space<vmem_shared>> -> memref<64x128xf32, #tpu.memory_space<vmem_shared>>
      tpu.enqueue_indirect_dma source(%dma_start3A_184 : memref<64x128xf32, #tpu.memory_space<vmem_shared>>) target(%arg8 : memref<200x128xf32, #tpu.memory_space<vmem>>) offsets(%dma_start3A_181 : memref<200xi32, #tpu.memory_space<vmem>>) semaphore(%arg20 : memref<!tpu.dma_semaphore, #tpu.memory_space<semaphore_mem>>) {add = true}
      %dma_wait3A_185 = tpu.memref_slice %arg10[%mul3A_180] : memref<10000xi32, #tpu.memory_space<vmem>> -> memref<200xi32, #tpu.memory_space<vmem>>
      %dma_wait3A_186 = arith.constant 0 : i32
      %dma_wait3A_187 = arith.constant 0 : i32
      %dma_wait3A_188 = tpu.memref_slice %arg11[%dma_wait3A_186, %dma_wait3A_187] : memref<64x128xf32, #tpu.memory_space<vmem_shared>> -> memref<64x128xf32, #tpu.memory_space<vmem_shared>>
      tpu.wait_indirect_dma semaphore(%arg20 : memref<!tpu.dma_semaphore, #tpu.memory_space<semaphore_mem>>) src(%dma_wait3A_188 : memref<64x128xf32, #tpu.memory_space<vmem_shared>>) dst(%arg8 : memref<200x128xf32, #tpu.memory_space<vmem>>)
      %mul3A_189 = arith.constant 200 : i32
      %mul3A_190 = arith.muli %add3A_165, %mul3A_189 : i32
      %add3A_191 = arith.addi %mul3A_2, %mul3A_190 : i32
      %dma_start3A_192 = arith.constant 0 : i32
      %dma_start3A_193 = tpu.memref_slice %arg5[%add3A_191, %dma_start3A_192] : memref<320000x128xf32, #tpu.memory_space<hbm>> -> memref<200x128xf32, #tpu.memory_space<hbm>>
      %dma_start3A_194 = arith.constant 0 : i32
      %dma_start3A_195 = tpu.memref_slice %arg5[%add3A_191, %dma_start3A_194] : memref<320000x128xf32, #tpu.memory_space<hbm>> -> memref<200x128xf32, #tpu.memory_space<hbm>>
      tpu.enqueue_dma source(%arg8 : memref<200x128xf32, #tpu.memory_space<vmem>>) target(%dma_start3A_195 : memref<200x128xf32, #tpu.memory_space<hbm>>) target_semaphore(%arg18 : memref<!tpu.dma_semaphore, #tpu.memory_space<semaphore_mem>>)
      %mul3A_196 = arith.constant 4 : i32
      %mul3A_197 = arith.muli %mul3A_196, %scan3A_94 : i32
      %add3A_198 = arith.constant 3 : i32
      %add3A_199 = arith.addi %mul3A_197, %add3A_198 : i32
      %add3A_200 = arith.constant 2 : i32
      %add3A_201 = arith.addi %add3A_199, %add3A_200 : i32
      %lt3A_202 = arith.constant 50 : i32
      %lt3A_203 = arith.cmpi slt, %add3A_201, %lt3A_202 : i32
      %convert_element_type3A_204 = arith.extui %lt3A_203 : i1 to i32
      %cond3A_205 = arith.constant 0 : i32
      %cond3A_206 = arith.cmpi ne, %convert_element_type3A_204, %cond3A_205 : i32
      scf.if %cond3A_206 {
        %add3A_230 = arith.constant 2 : i32
        %add3A_231 = arith.addi %add3A_199, %add3A_230 : i32
        %ge3A = arith.constant 4 : i32
        %ge3A_232 = arith.cmpi sge, %add3A_231, %ge3A : i32
        %convert_element_type3A_233 = arith.extui %ge3A_232 : i1 to i32
        %cond3A_234 = arith.constant 0 : i32
        %cond3A_235 = arith.cmpi ne, %convert_element_type3A_233, %cond3A_234 : i32
        scf.if %cond3A_235 {
          %dma_wait3A_245 = arith.constant 0 : i32
          %dma_wait3A_246 = arith.constant 0 : i32
          %dma_wait3A_247 = tpu.memref_slice %arg5[%dma_wait3A_245, %dma_wait3A_246] : memref<320000x128xf32, #tpu.memory_space<hbm>> -> memref<200x128xf32, #tpu.memory_space<hbm>>
          %dma_wait3A_248 = arith.constant 0 : i32
          %dma_wait3A_249 = arith.constant 0 : i32
          %dma_wait3A_250 = tpu.memref_slice %arg5[%dma_wait3A_248, %dma_wait3A_249] : memref<320000x128xf32, #tpu.memory_space<hbm>> -> memref<200x128xf32, #tpu.memory_space<hbm>>
          tpu.wait_dma2 semaphore(%arg17 : memref<!tpu.dma_semaphore, #tpu.memory_space<semaphore_mem>>) src(%arg7 : memref<200x128xf32, #tpu.memory_space<vmem>>) dst(%dma_wait3A_250 : memref<200x128xf32, #tpu.memory_space<hbm>>)
        } else {
        }
        %add3A_236 = arith.constant 2 : i32
        %add3A_237 = arith.addi %add3A_199, %add3A_236 : i32
        %mul3A_238 = arith.constant 200 : i32
        %mul3A_239 = arith.muli %add3A_237, %mul3A_238 : i32
        %add3A_240 = arith.addi %mul3A_2, %mul3A_239 : i32
        %dma_start3A_241 = arith.constant 0 : i32
        %dma_start3A_242 = tpu.memref_slice %arg2[%add3A_240, %dma_start3A_241] : memref<320000x128xf32, #tpu.memory_space<hbm>> -> memref<200x128xf32, #tpu.memory_space<hbm>>
        %dma_start3A_243 = arith.constant 0 : i32
        %dma_start3A_244 = tpu.memref_slice %arg2[%add3A_240, %dma_start3A_243] : memref<320000x128xf32, #tpu.memory_space<hbm>> -> memref<200x128xf32, #tpu.memory_space<hbm>>
        tpu.enqueue_dma source(%dma_start3A_244 : memref<200x128xf32, #tpu.memory_space<hbm>>) target(%arg7 : memref<200x128xf32, #tpu.memory_space<vmem>>) target_semaphore(%arg13 : memref<!tpu.dma_semaphore, #tpu.memory_space<semaphore_mem>>)
      } else {
      }
      %dma_wait3A_207 = arith.constant 0 : i32
      %dma_wait3A_208 = arith.constant 0 : i32
      %dma_wait3A_209 = tpu.memref_slice %arg2[%dma_wait3A_207, %dma_wait3A_208] : memref<320000x128xf32, #tpu.memory_space<hbm>> -> memref<200x128xf32, #tpu.memory_space<hbm>>
      %dma_wait3A_210 = arith.constant 0 : i32
      %dma_wait3A_211 = arith.constant 0 : i32
      %dma_wait3A_212 = tpu.memref_slice %arg2[%dma_wait3A_210, %dma_wait3A_211] : memref<320000x128xf32, #tpu.memory_space<hbm>> -> memref<200x128xf32, #tpu.memory_space<hbm>>
      tpu.wait_dma2 semaphore(%arg15 : memref<!tpu.dma_semaphore, #tpu.memory_space<semaphore_mem>>) src(%dma_wait3A_212 : memref<200x128xf32, #tpu.memory_space<hbm>>) dst(%arg9 : memref<200x128xf32, #tpu.memory_space<vmem>>)
      %mul3A_213 = arith.constant 200 : i32
      %mul3A_214 = arith.muli %add3A_199, %mul3A_213 : i32
      %dma_start3A_215 = tpu.memref_slice %arg10[%mul3A_214] : memref<10000xi32, #tpu.memory_space<vmem>> -> memref<200xi32, #tpu.memory_space<vmem>>
      %dma_start3A_216 = arith.constant 0 : i32
      %dma_start3A_217 = arith.constant 0 : i32
      %dma_start3A_218 = tpu.memref_slice %arg11[%dma_start3A_216, %dma_start3A_217] : memref<64x128xf32, #tpu.memory_space<vmem_shared>> -> memref<64x128xf32, #tpu.memory_space<vmem_shared>>
      tpu.enqueue_indirect_dma source(%dma_start3A_218 : memref<64x128xf32, #tpu.memory_space<vmem_shared>>) target(%arg9 : memref<200x128xf32, #tpu.memory_space<vmem>>) offsets(%dma_start3A_215 : memref<200xi32, #tpu.memory_space<vmem>>) semaphore(%arg20 : memref<!tpu.dma_semaphore, #tpu.memory_space<semaphore_mem>>) {add = true}
      %dma_wait3A_219 = tpu.memref_slice %arg10[%mul3A_214] : memref<10000xi32, #tpu.memory_space<vmem>> -> memref<200xi32, #tpu.memory_space<vmem>>
      %dma_wait3A_220 = arith.constant 0 : i32
      %dma_wait3A_221 = arith.constant 0 : i32
      %dma_wait3A_222 = tpu.memref_slice %arg11[%dma_wait3A_220, %dma_wait3A_221] : memref<64x128xf32, #tpu.memory_space<vmem_shared>> -> memref<64x128xf32, #tpu.memory_space<vmem_shared>>
      tpu.wait_indirect_dma semaphore(%arg20 : memref<!tpu.dma_semaphore, #tpu.memory_space<semaphore_mem>>) src(%dma_wait3A_222 : memref<64x128xf32, #tpu.memory_space<vmem_shared>>) dst(%arg9 : memref<200x128xf32, #tpu.memory_space<vmem>>)
      %mul3A_223 = arith.constant 200 : i32
      %mul3A_224 = arith.muli %add3A_199, %mul3A_223 : i32
      %add3A_225 = arith.addi %mul3A_2, %mul3A_224 : i32
      %dma_start3A_226 = arith.constant 0 : i32
      %dma_start3A_227 = tpu.memref_slice %arg5[%add3A_225, %dma_start3A_226] : memref<320000x128xf32, #tpu.memory_space<hbm>> -> memref<200x128xf32, #tpu.memory_space<hbm>>
      %dma_start3A_228 = arith.constant 0 : i32
      %dma_start3A_229 = tpu.memref_slice %arg5[%add3A_225, %dma_start3A_228] : memref<320000x128xf32, #tpu.memory_space<hbm>> -> memref<200x128xf32, #tpu.memory_space<hbm>>
      tpu.enqueue_dma source(%arg9 : memref<200x128xf32, #tpu.memory_space<vmem>>) target(%dma_start3A_229 : memref<200x128xf32, #tpu.memory_space<hbm>>) target_semaphore(%arg19 : memref<!tpu.dma_semaphore, #tpu.memory_space<semaphore_mem>>)
    }
    %scan3A_25 = arith.constant 12 : i32
    %dma_wait3A_26 = arith.constant 0 : i32
    %dma_wait3A_27 = arith.constant 0 : i32
    %dma_wait3A_28 = tpu.memref_slice %arg2[%dma_wait3A_26, %dma_wait3A_27] : memref<320000x128xf32, #tpu.memory_space<hbm>> -> memref<200x128xf32, #tpu.memory_space<hbm>>
    %dma_wait3A_29 = arith.constant 0 : i32
    %dma_wait3A_30 = arith.constant 0 : i32
    %dma_wait3A_31 = tpu.memref_slice %arg2[%dma_wait3A_29, %dma_wait3A_30] : memref<320000x128xf32, #tpu.memory_space<hbm>> -> memref<200x128xf32, #tpu.memory_space<hbm>>
    tpu.wait_dma2 semaphore(%arg12 : memref<!tpu.dma_semaphore, #tpu.memory_space<semaphore_mem>>) src(%dma_wait3A_31 : memref<200x128xf32, #tpu.memory_space<hbm>>) dst(%arg6 : memref<200x128xf32, #tpu.memory_space<vmem>>)
    %dma_start3A_32 = arith.constant 9600 : i32
    %dma_start3A_33 = tpu.memref_slice %arg10[%dma_start3A_32] : memref<10000xi32, #tpu.memory_space<vmem>> -> memref<200xi32, #tpu.memory_space<vmem>>
    %dma_start3A_34 = arith.constant 0 : i32
    %dma_start3A_35 = arith.constant 0 : i32
    %dma_start3A_36 = tpu.memref_slice %arg11[%dma_start3A_34, %dma_start3A_35] : memref<64x128xf32, #tpu.memory_space<vmem_shared>> -> memref<64x128xf32, #tpu.memory_space<vmem_shared>>
    tpu.enqueue_indirect_dma source(%dma_start3A_36 : memref<64x128xf32, #tpu.memory_space<vmem_shared>>) target(%arg6 : memref<200x128xf32, #tpu.memory_space<vmem>>) offsets(%dma_start3A_33 : memref<200xi32, #tpu.memory_space<vmem>>) semaphore(%arg20 : memref<!tpu.dma_semaphore, #tpu.memory_space<semaphore_mem>>) {add = true}
    %dma_wait3A_37 = arith.constant 9600 : i32
    %dma_wait3A_38 = tpu.memref_slice %arg10[%dma_wait3A_37] : memref<10000xi32, #tpu.memory_space<vmem>> -> memref<200xi32, #tpu.memory_space<vmem>>
    %dma_wait3A_39 = arith.constant 0 : i32
    %dma_wait3A_40 = arith.constant 0 : i32
    %dma_wait3A_41 = tpu.memref_slice %arg11[%dma_wait3A_39, %dma_wait3A_40] : memref<64x128xf32, #tpu.memory_space<vmem_shared>> -> memref<64x128xf32, #tpu.memory_space<vmem_shared>>
    tpu.wait_indirect_dma semaphore(%arg20 : memref<!tpu.dma_semaphore, #tpu.memory_space<semaphore_mem>>) src(%dma_wait3A_41 : memref<64x128xf32, #tpu.memory_space<vmem_shared>>) dst(%arg6 : memref<200x128xf32, #tpu.memory_space<vmem>>)
    %add3A_42 = arith.constant 9600 : i32
    %add3A_43 = arith.addi %mul3A_2, %add3A_42 : i32
    %dma_start3A_44 = arith.constant 0 : i32
    %dma_start3A_45 = tpu.memref_slice %arg5[%add3A_43, %dma_start3A_44] : memref<320000x128xf32, #tpu.memory_space<hbm>> -> memref<200x128xf32, #tpu.memory_space<hbm>>
    %dma_start3A_46 = arith.constant 0 : i32
    %dma_start3A_47 = tpu.memref_slice %arg5[%add3A_43, %dma_start3A_46] : memref<320000x128xf32, #tpu.memory_space<hbm>> -> memref<200x128xf32, #tpu.memory_space<hbm>>
    tpu.enqueue_dma source(%arg6 : memref<200x128xf32, #tpu.memory_space<vmem>>) target(%dma_start3A_47 : memref<200x128xf32, #tpu.memory_space<hbm>>) target_semaphore(%arg16 : memref<!tpu.dma_semaphore, #tpu.memory_space<semaphore_mem>>)
    %dma_wait3A_48 = arith.constant 0 : i32
    %dma_wait3A_49 = arith.constant 0 : i32
    %dma_wait3A_50 = tpu.memref_slice %arg2[%dma_wait3A_48, %dma_wait3A_49] : memref<320000x128xf32, #tpu.memory_space<hbm>> -> memref<200x128xf32, #tpu.memory_space<hbm>>
    %dma_wait3A_51 = arith.constant 0 : i32
    %dma_wait3A_52 = arith.constant 0 : i32
    %dma_wait3A_53 = tpu.memref_slice %arg2[%dma_wait3A_51, %dma_wait3A_52] : memref<320000x128xf32, #tpu.memory_space<hbm>> -> memref<200x128xf32, #tpu.memory_space<hbm>>
    tpu.wait_dma2 semaphore(%arg13 : memref<!tpu.dma_semaphore, #tpu.memory_space<semaphore_mem>>) src(%dma_wait3A_53 : memref<200x128xf32, #tpu.memory_space<hbm>>) dst(%arg7 : memref<200x128xf32, #tpu.memory_space<vmem>>)
    %dma_start3A_54 = arith.constant 9800 : i32
    %dma_start3A_55 = tpu.memref_slice %arg10[%dma_start3A_54] : memref<10000xi32, #tpu.memory_space<vmem>> -> memref<200xi32, #tpu.memory_space<vmem>>
    %dma_start3A_56 = arith.constant 0 : i32
    %dma_start3A_57 = arith.constant 0 : i32
    %dma_start3A_58 = tpu.memref_slice %arg11[%dma_start3A_56, %dma_start3A_57] : memref<64x128xf32, #tpu.memory_space<vmem_shared>> -> memref<64x128xf32, #tpu.memory_space<vmem_shared>>
    tpu.enqueue_indirect_dma source(%dma_start3A_58 : memref<64x128xf32, #tpu.memory_space<vmem_shared>>) target(%arg7 : memref<200x128xf32, #tpu.memory_space<vmem>>) offsets(%dma_start3A_55 : memref<200xi32, #tpu.memory_space<vmem>>) semaphore(%arg20 : memref<!tpu.dma_semaphore, #tpu.memory_space<semaphore_mem>>) {add = true}
    %dma_wait3A_59 = arith.constant 9800 : i32
    %dma_wait3A_60 = tpu.memref_slice %arg10[%dma_wait3A_59] : memref<10000xi32, #tpu.memory_space<vmem>> -> memref<200xi32, #tpu.memory_space<vmem>>
    %dma_wait3A_61 = arith.constant 0 : i32
    %dma_wait3A_62 = arith.constant 0 : i32
    %dma_wait3A_63 = tpu.memref_slice %arg11[%dma_wait3A_61, %dma_wait3A_62] : memref<64x128xf32, #tpu.memory_space<vmem_shared>> -> memref<64x128xf32, #tpu.memory_space<vmem_shared>>
    tpu.wait_indirect_dma semaphore(%arg20 : memref<!tpu.dma_semaphore, #tpu.memory_space<semaphore_mem>>) src(%dma_wait3A_63 : memref<64x128xf32, #tpu.memory_space<vmem_shared>>) dst(%arg7 : memref<200x128xf32, #tpu.memory_space<vmem>>)
    %add3A_64 = arith.constant 9800 : i32
    %add3A_65 = arith.addi %mul3A_2, %add3A_64 : i32
    %dma_start3A_66 = arith.constant 0 : i32
    %dma_start3A_67 = tpu.memref_slice %arg5[%add3A_65, %dma_start3A_66] : memref<320000x128xf32, #tpu.memory_space<hbm>> -> memref<200x128xf32, #tpu.memory_space<hbm>>
    %dma_start3A_68 = arith.constant 0 : i32
    %dma_start3A_69 = tpu.memref_slice %arg5[%add3A_65, %dma_start3A_68] : memref<320000x128xf32, #tpu.memory_space<hbm>> -> memref<200x128xf32, #tpu.memory_space<hbm>>
    tpu.enqueue_dma source(%arg7 : memref<200x128xf32, #tpu.memory_space<vmem>>) target(%dma_start3A_69 : memref<200x128xf32, #tpu.memory_space<hbm>>) target_semaphore(%arg17 : memref<!tpu.dma_semaphore, #tpu.memory_space<semaphore_mem>>)
    %dma_wait3A_70 = arith.constant 0 : i32
    %dma_wait3A_71 = arith.constant 0 : i32
    %dma_wait3A_72 = tpu.memref_slice %arg5[%dma_wait3A_70, %dma_wait3A_71] : memref<320000x128xf32, #tpu.memory_space<hbm>> -> memref<200x128xf32, #tpu.memory_space<hbm>>
    %dma_wait3A_73 = arith.constant 0 : i32
    %dma_wait3A_74 = arith.constant 0 : i32
    %dma_wait3A_75 = tpu.memref_slice %arg5[%dma_wait3A_73, %dma_wait3A_74] : memref<320000x128xf32, #tpu.memory_space<hbm>> -> memref<200x128xf32, #tpu.memory_space<hbm>>
    tpu.wait_dma2 semaphore(%arg16 : memref<!tpu.dma_semaphore, #tpu.memory_space<semaphore_mem>>) src(%arg6 : memref<200x128xf32, #tpu.memory_space<vmem>>) dst(%dma_wait3A_75 : memref<200x128xf32, #tpu.memory_space<hbm>>)
    %dma_wait3A_76 = arith.constant 0 : i32
    %dma_wait3A_77 = arith.constant 0 : i32
    %dma_wait3A_78 = tpu.memref_slice %arg5[%dma_wait3A_76, %dma_wait3A_77] : memref<320000x128xf32, #tpu.memory_space<hbm>> -> memref<200x128xf32, #tpu.memory_space<hbm>>
    %dma_wait3A_79 = arith.constant 0 : i32
    %dma_wait3A_80 = arith.constant 0 : i32
    %dma_wait3A_81 = tpu.memref_slice %arg5[%dma_wait3A_79, %dma_wait3A_80] : memref<320000x128xf32, #tpu.memory_space<hbm>> -> memref<200x128xf32, #tpu.memory_space<hbm>>
    tpu.wait_dma2 semaphore(%arg17 : memref<!tpu.dma_semaphore, #tpu.memory_space<semaphore_mem>>) src(%arg7 : memref<200x128xf32, #tpu.memory_space<vmem>>) dst(%dma_wait3A_81 : memref<200x128xf32, #tpu.memory_space<hbm>>)
    %dma_wait3A_82 = arith.constant 0 : i32
    %dma_wait3A_83 = arith.constant 0 : i32
    %dma_wait3A_84 = tpu.memref_slice %arg5[%dma_wait3A_82, %dma_wait3A_83] : memref<320000x128xf32, #tpu.memory_space<hbm>> -> memref<200x128xf32, #tpu.memory_space<hbm>>
    %dma_wait3A_85 = arith.constant 0 : i32
    %dma_wait3A_86 = arith.constant 0 : i32
    %dma_wait3A_87 = tpu.memref_slice %arg5[%dma_wait3A_85, %dma_wait3A_86] : memref<320000x128xf32, #tpu.memory_space<hbm>> -> memref<200x128xf32, #tpu.memory_space<hbm>>
    tpu.wait_dma2 semaphore(%arg18 : memref<!tpu.dma_semaphore, #tpu.memory_space<semaphore_mem>>) src(%arg8 : memref<200x128xf32, #tpu.memory_space<vmem>>) dst(%dma_wait3A_87 : memref<200x128xf32, #tpu.memory_space<hbm>>)
    %dma_wait3A_88 = arith.constant 0 : i32
    %dma_wait3A_89 = arith.constant 0 : i32
    %dma_wait3A_90 = tpu.memref_slice %arg5[%dma_wait3A_88, %dma_wait3A_89] : memref<320000x128xf32, #tpu.memory_space<hbm>> -> memref<200x128xf32, #tpu.memory_space<hbm>>
    %dma_wait3A_91 = arith.constant 0 : i32
    %dma_wait3A_92 = arith.constant 0 : i32
    %dma_wait3A_93 = tpu.memref_slice %arg5[%dma_wait3A_91, %dma_wait3A_92] : memref<320000x128xf32, #tpu.memory_space<hbm>> -> memref<200x128xf32, #tpu.memory_space<hbm>>
    tpu.wait_dma2 semaphore(%arg19 : memref<!tpu.dma_semaphore, #tpu.memory_space<semaphore_mem>>) src(%arg9 : memref<200x128xf32, #tpu.memory_space<vmem>>) dst(%dma_wait3A_93 : memref<200x128xf32, #tpu.memory_space<hbm>>)
    return
  }
}

</mosaic_0001>

<sc_bundles>
// kernel: _sc_call.3.cloned.1.call-start
scs
__scs_entry_jumppad:
0x0: {  	(pc) =	sbr.rel $0x88, $3  }
0x1: {  	(tag) =	ssettag $0x0;
	lr =	simm.s32 $0x1  }
0x2: {  	[smem:$0x3F9E] =	sst lr;
	_ =	strace $0xD0000000  }
0x3: {  	_ = 	snop  }
0x4: {  	_ = 	snop  }
0x5: {  	_ = 	snop  }
0x6: {  	_ = 	snop  }
0x7: {  	_ = 	snop  }
__scs_overlays_trampoline_lowered:
0x8: {  	[smem:$0x3FAD] =	sst s0  }
0x9: {  	[smem:$0x3FAE] =	sst s1  }
0xa: {  	[smem:$0x3FAF] =	sst s2  }
0xb: {  	[smem:$0x3FB0] =	sst s3  }
0xc: {  	[smem:$0x3FB1] =	sst s4  }
0xd: {  	[smem:$0x3FB2] =	sst s5  }
0xe: {  	[smem:$0x3FB3] =	sst s6  }
0xf: {  	[smem:$0x3FB4] =	sst s7  }
0x10: {  	[smem:$0x3FB5] =	sst s8  }
0x11: {  	[smem:$0x3FB6] =	sst s9;
	s0 =	simm.s32 @!p0 $0x0  }
0x12: {  	s1 =	sld [smem:$0x3F9C];
	s0 =	simm.s32 @p0 $0x1  }
0x13: {  	[smem:$0x3FB7] =	sst s0;
	s0 =	simm.s32 @!p1 $0x0  }
0x14: {  	s2 =	sld [smem:$0x3F9B];
	s0 =	simm.s32 @p1 $0x1  }
0x15: {  	[smem:$0x3FB8] =	sst s0;
	s0 =	simm.s32 @!p2 $0x0  }
0x16: {  	s3 =	sld [smem:$0x3FDB];
	s0 =	simm.s32 @p2 $0x1  }
0x17: {  	s4 =	simm.s32 $0x1BF5;
	[smem:$0x3FBA] =	sst s0  }
0x18: {  	s0 =	sld [smem:$0x3F9D];
	_ =	swait.ge [sflag:s4], $0x0  }
0x19: {  	s7 =	sld [smem:$0x3F9E]  }
0x1a: {  	s8 =	sadd.s32 $0xFFFFE003, lr  }
0x1b: {  	s9 =	sadd.s32 $0xFFFFFEF7, lr;
	s5 =	simm.s32 $0xFFFFFFFF;
	p2 =	slt.u32 s8, $0xFFFFF086  }
0x1c: {  	p1 =	slt.u32 s9, $0xF7A;
	s5 =	simm.s32 @!p2 $0x0  }
0x1d: {  	s5 =	simm.s32 @p1 $0x1;
	p0 =	seq.s32 s7, s2  }
0x1e: {  	s7 =	smul.u32 @!p0 $0xF7A, s2;
	p2 =	seq.s32 @!p0 s5, $0x0  }
0x1f: {  	s9 =	smul.u32 $0xF7A, s1;
	s8 =	simm.s32 @!p0 $0x1BF5;
	p2 =	por !p2, p0  }
0x20: {  	[sflag:s8] =	ssyncset.s32 @!p0 $0xFFFFF086;
	s6 =	sadd.s32 @!p0 s3, s7;
	s7 =	simm.s32 @!p0 $0x108  }
0x21: {  	s3 =	sadd.s32 s3, s9;
	s6 =	sadd.s32 @!p0 $0x88, s6;
	s7 =	simm.s32 @p2 $0x1082  }
0x22: {  	[simem:s7], [sflag:s8] =	dma.local @!p0 [hbm:s6], $0xF7A  }
0x23: {  	s9 =	sor.u32 $0xD0000000, s2;
	s6 =	simm.s32 $0x108;
	_ =	swait.ge @!p0 [sflag:s8], $0x0  }
0x24: {  	s3 =	sadd.s32 $0x88, s3;
	s6 =	simm.s32 @!p1 $0x1082;
	[sflag:s4] =	ssyncset.s32 $0xFFFFF086  }
0x25: {  	[simem:s6], [sflag:s4] =	dma.local [hbm:s3], $0xF7A  }
0x26: {  	[smem:$0x3F9E] =	sst s1;
	(tag) =	ssettag s2;
	_ =	strace s9  }
0x27: {  	s1 =	sld [smem:$0x3FAE]  }
0x28: {  	s2 =	sld [smem:$0x3FAF]  }
0x29: {  	s4 =	sld [smem:$0x3FB1]  }
0x2a: {  	p0 =	seq.s32 s5, $0x0;
	s5 =	sld [smem:$0x3FB2]  }
0x2b: {  	s6 =	sld [smem:$0x3FB3]  }
0x2c: {  	s7 =	sld [smem:$0x3FB4]  }
0x2d: {  	s3 =	simm.s32 $0x108;
	s8 =	sld [smem:$0x3FB5]  }
0x2e: {  	s3 =	simm.s32 @!p0 $0x1082;
	s9 =	sld [smem:$0x3FB6]  }
0x2f: {  	lr =	sadd.s32 s0, s3;
	s0 =	sld [smem:$0x3FAD]  }
0x30: {  	s3 =	sld [smem:$0x3FB0]  }
0x31: {  	[smem:$0x3FB9] =	sst s10  }
0x32: {  	s10 =	sld [smem:$0x3FB7];
	_ =	sdelay $0x3  }
0x33: {  	p0 =	seq.s32 s10, $0x1;
	s10 =	sld [smem:$0x3FB9];
	_ =	sdelay $0x3  }
0x34: {  	[smem:$0x3FB9] =	sst s10  }
0x35: {  	s10 =	sld [smem:$0x3FB8];
	_ =	sdelay $0x3  }
0x36: {  	p1 =	seq.s32 s10, $0x1;
	s10 =	sld [smem:$0x3FB9];
	_ =	sdelay $0x3  }
0x37: {  	[smem:$0x3FB9] =	sst s10  }
0x38: {  	s10 =	sld [smem:$0x3FBA]  }
0x39: {  	_ = 	snop;
	(pc) =	sbr.ind lr, $3  }
0x3a: {  	_ = 	snop  }
0x3b: {  	_ = 	snop  }
0x3c: {  	p2 =	seq.s32 s10, $0x1;
	s10 =	sld [smem:$0x3FB9]  }
0x3d: {  	_ =	shalt  }
0x3e: {  	_ =	shalt  }
0x3f: {  	_ =	shalt  }
0x40: {  	_ =	shalt  }
0x41: {  	_ =	shalt  }
0x42: {  	_ =	shalt  }
0x43: {  	_ =	shalt  }
0x44: {  	_ =	shalt  }
0x45: {  	_ =	shalt  }
0x46: {  	_ =	shalt  }
0x47: {  	_ =	shalt  }
0x48: {  	_ =	shalt  }
0x49: {  	_ =	shalt  }
0x4a: {  	_ =	shalt  }
0x4b: {  	_ =	shalt  }
0x4c: {  	_ =	shalt  }
0x4d: {  	_ =	shalt  }
0x4e: {  	_ =	shalt  }
0x4f: {  	_ =	shalt  }
0x50: {  	_ =	shalt  }
0x51: {  	_ =	shalt  }
0x52: {  	_ =	shalt  }
0x53: {  	_ =	shalt  }
0x54: {  	_ =	shalt  }
0x55: {  	_ =	shalt  }
0x56: {  	_ =	shalt  }
0x57: {  	_ =	shalt  }
0x58: {  	_ =	shalt  }
0x59: {  	_ =	shalt  }
0x5a: {  	_ =	shalt  }
0x5b: {  	_ =	shalt  }
0x5c: {  	_ =	shalt  }
0x5d: {  	_ =	shalt  }
0x5e: {  	_ =	shalt  }
0x5f: {  	_ =	shalt  }
0x60: {  	_ =	shalt  }
0x61: {  	_ =	shalt  }
0x62: {  	_ =	shalt  }
0x63: {  	_ =	shalt  }
0x64: {  	_ =	shalt  }
0x65: {  	_ =	shalt  }
0x66: {  	_ =	shalt  }
0x67: {  	_ =	shalt  }
0x68: {  	_ =	shalt  }
0x69: {  	_ =	shalt  }
0x6a: {  	_ =	shalt  }
0x6b: {  	_ =	shalt  }
0x6c: {  	_ =	shalt  }
0x6d: {  	_ =	shalt  }
0x6e: {  	_ =	shalt  }
0x6f: {  	_ =	shalt  }
0x70: {  	_ =	shalt  }
0x71: {  	_ =	shalt  }
0x72: {  	_ =	shalt  }
0x73: {  	_ =	shalt  }
0x74: {  	_ =	shalt  }
0x75: {  	_ =	shalt  }
0x76: {  	_ =	shalt  }
0x77: {  	_ =	shalt  }
0x78: {  	_ =	shalt  }
0x79: {  	_ =	shalt  }
0x7a: {  	_ =	shalt  }
0x7b: {  	_ =	shalt  }
0x7c: {  	_ =	shalt  }
0x7d: {  	_ =	shalt  }
0x7e: {  	_ =	shalt  }
0x7f: {  	_ =	shalt  }
0x80: {  	_ =	shalt  }
0x81: {  	_ =	shalt  }
0x82: {  	_ =	shalt  }
0x83: {  	_ =	shalt  }
0x84: {  	_ =	shalt  }
0x85: {  	_ =	shalt  }
0x86: {  	_ =	shalt  }
0x87: {  	_ =	shalt  }
.Lfunc_end0:
.L_simem_size_0:
called_computation_lowered:
.L_overlay_start_0:
0x88: {  	s2 =	sld [smem:$0x3FD9]  }
0x89: {  	s3 =	sld [smem:$0x3FFE];
	_ =	sdelay $0x1  }
0x8a: {  	s1 =	srdreg.scid  }
0x8b: {  	s0 =	sand.u32 $0x1, s1  }
0x8c: {  	s18 =	sshll.u32 s0, $0xA;
	s2 =	sadd.s32 s3, s2  }
0x8d: {  	s2 =	sadd.s32 s2, s18  }
0x8e: {  	[smem:$0x3FC5] =	sst s2  }
0x8f: {  	_ = 	snop  }
0x90: {  	s2 =	sld [smem:$0x3FC9]  }
0x91: {  	s19 =	sld [smem:$0x3FC8]  }
0x92: {  	s4 =	sld [smem:$0x3FC7]  }
0x93: {  	s5 =	sld [smem:$0x3FD0];
	(tm) =	ssettm $0x1  }
0x94: {  	s6 =	sld [smem:$0x3FFB];
	_ =	sdelay $0x3  }
0x95: {  	_ =	strace s6  }
0x96: {  	s6 =	sld [smem:$0x3FFC];
	_ =	sdelay $0x3  }
0x97: {  	_ =	strace s6  }
0x98: {  	s6 =	sld [smem:$0x3FFD];
	_ =	sdelay $0x3  }
0x99: {  	_ =	strace s6  }
0x9a: {  	_ =	strace $0x8FFFFFFF  }
0x9b: {  	s20 =	sld [smem:$0x3FDB];
	_ =	sdelay $0x1  }
0x9c: {  	s7 =	simm.s32 $_scs_section_size  }
0x9d: {  	s8 =	simm.s32 $_size__tile_overlayer_lowered;
	s9 =	simm.s32 $_tile_overlayer_lowered  }
0x9e: {  	s23 =	simm.s32 $0x1BFF;
	s22 =	sshll.u32 s9, $0x1;
	s6 =	sadd.s32 s7, s20  }
0x9f: {  	s10 =	simm.s32 $0x0;
	s21 =	sshll.u32 s8, $0x1;
	s8 =	sadd.s32 s22, s6  }
0xa0: {  	[timem:s10], [sflag:s23] =	dma.local [hbm:s8], s21  }
0xa1: {  	_ =	swait.ge [sflag:s23], s21  }
0xa2: {  	s7 =	ssub.s32 $0x0, s21;
	[sflag:s23] =	ssyncset.done $0x0  }
0xa3: {  	[sflag:s23] =	ssyncadd.s32 s7;
	_ =	sdelay $0x1  }
0xa4: {  	s24 =	simm.s32 $0x1B8B  }
0xa5: {  	_ =	swait.ge [sflag:s24], $0x1  }
0xa6: {  	[sflag:s24] =	ssyncset.done $0x0  }
0xa7: {  	s25 =	simm.s32 $0x1B8E;
	[sflag:s24] =	ssyncadd.s32 $0xFFFFFFFF  }
0xa8: {  	s26 =	simm.s32 $execute0_lowered;
	[smem:$0x3FD2] =	sst s25  }
0xa9: {  	s7 =	sshll.u32 s26, $0x1;
	_ =	strace $0x80000046;
	[dreg:$0x1] =	wrdreg $0xFFFFFFFF  }
0xaa: {  	s28 =	simm.s32 $_size_execute0_lowered;
	s6 =	sadd.s32 s6, s7;
	[dreg:$0x0] =	wrdreg $0x0  }
0xab: {  	s7 =	sshll.u32 s28, $0x1;
	[dreg:$0x2] =	wrdreg s6  }
0xac: {  	[dreg:$0x3] =	wrdreg s7  }
0xad: {  	[dreg:$0x4] =	wrdreg $0xC0  }
0xae: {  	_ =	task [dreg:s10], $0x5FFFF  }
0xaf: {  	[dreg:$0x1] =	wrdreg $0xFFFFFFFF  }
0xb0: {  	[dreg:$0x0] =	wrdreg $0x60  }
0xb1: {  	[dreg:$0x2] =	wrdreg s2  }
0xb2: {  	[dreg:$0x3] =	wrdreg s19  }
0xb3: {  	[dreg:$0x4] =	wrdreg s4  }
0xb4: {  	[dreg:$0x5] =	wrdreg s5  }
0xb5: {  	[dreg:$0x6] =	wrdreg $0x1B7800  }
0xb6: {  	[dreg:$0x7] =	wrdreg $0x9  }
0xb7: {  	_ =	task.clear_ibuf [dreg:s10], $0x8FFFF;
	_ =	strace $0x90000046  }
0xb8: {  	s29 =	simm.s32 $0x9;
	_ =	strace $0x80000048  }
0xb9: {  	_ =	swait.ge [sflag:s29], $0x1  }
0xba: {  	[sflag:s29] =	ssyncadd.s32 $0xFFFFFFFF  }
0xbb: {  	_ =	strace $0x90000048  }
0xbc: {  	_ =	sfence  }
0xbd: {  	s30 =	sld [smem:$0x0];
	_ =	sdelay $0x2  }
0xbe: {  	s31 =	sshll.u32 s1, $0xD;
	s1 =	sshrl.u32 s1, $0x2  }
0xbf: {  	s3 =	sand.u32 $0x4000, s31;
	s1 =	sadd.s32 s1, s30  }
0xc0: {  	s0 =	sor.u32 s3, s0;
	s1 =	sshll.u32 s1, $0x11  }
0xc1: {  	s0 =	sor.u32 s1, s0  }
0xc2: {  	s0 =	sadd.s32 $0x8F2B, s0  }
0xc3: {  	[sflag:s0] =	ssyncadd.remote.s32 $0x1  }
0xc4: {  	_ =	sfence.sel $0xFFFF  }
0xc5: {  	[dreg:$0x0] =	wrdreg $0xFFFFFFFF;
	(pc) =	sbr.abs _section_cstart, $3  }
0xc6: {  	[dreg:$0x1] =	wrdreg $0xFFFFFFFF  }
0xc7: {  	_ =	task.clear_ibuf [dreg:s10], $0x2FFFF;
	_ =	strace $0x9FFFFFFF  }
0xc8: {  	(tm) =	ssettm $0x7FFFFFFF  }
0xc9: {  	_ =	shalt  }
tec
execute0_lowered:
.L_overlay_start_1:
0x0: {  	(tag) =	ssettag $0x1  }
0x1: {  	s0 =	rddreg [dreg:$0x0]  }
0x2: {  	s1 =	rddreg [dreg:$0x1]  }
0x3: {  	s9 =	rddreg [dreg:$0x3]  }
0x4: {  	s3 =	srdreg.scid;
	s12 =	stileid.u32  }
0x5: {  	s2 =	rddreg [dreg:$0x4];
	s15 =	simm.s32 $0xA;
	s16 =	simm.s32 $0xC800  }
0x6: {  	s17 =	simm.s32 $0x1;
	s18 =	simm.s32 $0xC8;
	s19 =	simm.s32 $0x9  }
0x7: {  	s20 =	simm.s32 $0x12C00;
	s21 =	simm.s32 $0x2;
	s22 =	simm.s32 $0x5  }
0x8: {  	s23 =	simm.s32 $0x3;
	s29 =	simm.s32 $0x7;
	s30 =	simm.s32 $0x8  }
0x9: {  	s7 =	sand.u32 $0x1, s3;
	s4 =	sshll.u32 s12, $0x1;
	s26 =	smul.u32 $0x4E200, s12  }
0xa: {  	s31 =	simm.s32 $0x0;
	s4 =	sor.u32 s7, s4;
	s13 =	smul.u32 $0x27100, s7  }
0xb: {  	s3 =	simm.s32 $0x0;
	p0 =	sne.s32 s12, $0x0;
	s5 =	smul.u32 $0x2710, s4  }
0xc: {  	[smem:$0x7FF] =	sst s3;
	s6 =	ssub.s32 $0x2, s7;
	s8 =	smul.u32 $0x138800, s4  }
0xd: {  	s14 =	sshrl.u32 @!p0 s2, $0x3;
	s10 =	sshrl.u32 s6, $0x1;
	s11 =	smul.u32 $0x27100, s4  }
0xe: {  	_ =	strace $0x80000047;
	s28 =	sadd.s32 s26, s9;
	s10 =	ssub.s32 s6, s10  }
0xf: {  	s5 =	sshrl.u32 s5, $0x3;
	s24 =	sshrl.u32 s8, $0x3;
	s4 =	sadd.s32 s0, s11  }
0x10: {  	s1 =	sadd.s32 s1, s5;
	[dreg:$0x7] =	wrdreg s4;
	s25 =	sadd.s32 s0, s24  }
0x11: {  	s0 =	sadd.s32 s26, s0;
	[dreg:$0x6] =	wrdreg s1;
	s6 =	sadd.s32 $0xC80, s25  }
0x12: {  	s1 =	sadd.s32 s9, s24;
	s9 =	smax.u32 s10, $0x1;
	s10 =	sadd.s32 s13, s28  }
0x13: {  	s11 =	sadd.s32 s13, s0;
	s13 =	simm.s32 $0x6400;
	s24 =	simm.s32 $0x6  }
0x14: {  	s25 =	simm.s32 $0x4;
	s7 =	sadd.s32 $0x25800, s1;
	s8 =	sadd.s32 $0x26480, s1  }
.LBB2_1:
0x15: {  	s0 =	rddreg [dreg:$0x6];
	s1 =	simm.s32 $0x19000  }
0x16: {  	[tilespmem:s1], [sflag:$0xA] =	stream.linear.gather [hbm4b:s0+s3], $0x2710, $0x38;
	[tilespmem:$0x1B980] =	vst v63  }
0x17: {  	s12 =	rddreg [dreg:$0x7]  }
0x18: {  	[tilespmem:s3], [sflag:$0x1] =	stream.linear.gather [hbm4b:s12+s3], $0x6400, $0x38;
	[tilespmem:$0x1B980] =	vst v63  }
0x19: {  	s0 =	simm.s32 @!p0 $0x1C0B;
	s1 =	rddreg [dreg:$0x2]  }
0x1a: {  	[tilespmem:s13], [sflag:$0x2] =	stream.linear.gather [hbm4b:s6+s3], $0x6400, $0x38;
	[tilespmem:$0x1B980] =	vst v63  }
0x1b: {  	[spmem:s14], [sflag:s0] =	dma.local @!p0 [hbm:s1], $0x400  }
0x1c: {  	s0 =	simm.s32 @!p0 $0xB  }
0x1d: {  	_ =	swait.ge @!p0 [sflag:s0], $0x400  }
0x1e: {  	[sflag:s0] =	ssyncset.done @!p0 $0x0  }
0x1f: {  	[sflag:s0] =	ssyncadd.s32 @!p0 $0xFFFFFC00  }
0x20: {  	[bflag:$0x0] =	sbarrier.arrive $0xFFFF  }
0x21: {  	_ =	swait.ge [sflag:s15], $0x2710  }
0x22: {  	p1 =	por $0x1, $0x1;
	[sflag:s15] =	ssyncset.done $0x0  }
0x23: {  	s0 =	simm.s32 @!p1 $0x7;
	[sflag:s15] =	ssyncadd.s32 $0xFFFFD8F0  }
0x24: {  	_ =	swait.ge @!p1 [sflag:s0], $0x6400  }
0x25: {  	s1 =	sadd.s32 $0x0, s11;
	[sflag:s0] =	ssyncset.done @!p1 $0x0  }
0x26: {  	s26 =	sadd.s32 $0x1900, s1;
	[sflag:s0] =	ssyncadd.s32 @!p1 $0xFFFF9C00  }
0x27: {  	[tilespmem:s16], [sflag:$0x3] =	stream.linear.gather [hbm4b:s26+s3], $0x6400, $0x38;
	[tilespmem:$0x1B980] =	vst v63  }
0x28: {  	_ =	swait.ge [sflag:s17], $0x6400  }
0x29: {  	[sflag:s17] =	ssyncset.done $0x0  }
0x2a: {  	s28 =	simm.s32 $0x19000;
	[sflag:s17] =	ssyncadd.s32 $0xFFFF9C00  }
0x2b: {  	[tilespmem:s3], [sflag:$0x9] =	stream.indirect.gather.add.f32 [spmem:s2], $0x80, s28, s18, $0xb8;
	[tilespmem:$0x1B980] =	vst v63  }
0x2c: {  	_ =	swait.ge [sflag:s19], $0x6400  }
0x2d: {  	[sflag:s19] =	ssyncset.done $0x0  }
0x2e: {  	s0 =	simm.s32 @!p1 $0x8;
	s26 =	sadd.s32 $0x0, s10;
	[sflag:s19] =	ssyncadd.s32 $0xFFFF9C00  }
0x2f: {  	[hbm4b:s26+s3] =	stream.linear.scatter [tilespmem:s3], [sflag:$0x5], $0x6400, $0x38;
	[tilespmem:$0x1B980] =	vst v63  }
0x30: {  	_ =	swait.ge @!p1 [sflag:s0], $0x6400  }
0x31: {  	[sflag:s0] =	ssyncset.done @!p1 $0x0  }
0x32: {  	s4 =	sadd.s32 $0x2580, s1;
	[sflag:s0] =	ssyncadd.s32 @!p1 $0xFFFF9C00  }
0x33: {  	[tilespmem:s20], [sflag:$0x4] =	stream.linear.gather [hbm4b:s4+s3], $0x6400, $0x38;
	[tilespmem:$0x1B980] =	vst v63  }
0x34: {  	_ =	swait.ge [sflag:s21], $0x6400  }
0x35: {  	[sflag:s21] =	ssyncset.done $0x0  }
0x36: {  	s5 =	simm.s32 $0x190C8;
	[sflag:s21] =	ssyncadd.s32 $0xFFFF9C00  }
0x37: {  	[tilespmem:s13], [sflag:$0x9] =	stream.indirect.gather.add.f32 [spmem:s2], $0x80, s5, s18, $0xb8;
	[tilespmem:$0x1B980] =	vst v63  }
0x38: {  	_ =	swait.ge [sflag:s19], $0x6400  }
0x39: {  	[sflag:s19] =	ssyncset.done $0x0  }
0x3a: {  	s12 =	sadd.s32 $0xC80, s26;
	[sflag:s19] =	ssyncadd.s32 $0xFFFF9C00  }
0x3b: {  	[hbm4b:s12+s3] =	stream.linear.scatter [tilespmem:s13], [sflag:$0x6], $0x6400, $0x38;
	[tilespmem:$0x1B980] =	vst v63  }
0x3c: {  	_ =	swait.ge [sflag:s22], $0x6400  }
0x3d: {  	[sflag:s22] =	ssyncset.done $0x0  }
0x3e: {  	s28 =	sadd.s32 $0x3200, s1;
	[sflag:s22] =	ssyncadd.s32 $0xFFFF9C00  }
0x3f: {  	[tilespmem:s3], [sflag:$0x1] =	stream.linear.gather [hbm4b:s28+s3], $0x6400, $0x38;
	[tilespmem:$0x1B980] =	vst v63  }
0x40: {  	_ =	swait.ge [sflag:s23], $0x6400  }
0x41: {  	[sflag:s23] =	ssyncset.done $0x0  }
0x42: {  	s4 =	simm.s32 $0x19190;
	[sflag:s23] =	ssyncadd.s32 $0xFFFF9C00  }
0x43: {  	[tilespmem:s16], [sflag:$0x9] =	stream.indirect.gather.add.f32 [spmem:s2], $0x80, s4, s18, $0xb8;
	[tilespmem:$0x1B980] =	vst v63  }
0x44: {  	_ =	swait.ge [sflag:s19], $0x6400  }
0x45: {  	[sflag:s19] =	ssyncset.done $0x0  }
0x46: {  	s5 =	sadd.s32 $0x1900, s26;
	[sflag:s19] =	ssyncadd.s32 $0xFFFF9C00  }
0x47: {  	[hbm4b:s5+s3] =	stream.linear.scatter [tilespmem:s16], [sflag:$0x7], $0x6400, $0x38;
	[tilespmem:$0x1B980] =	vst v63  }
0x48: {  	_ =	swait.ge [sflag:s24], $0x6400  }
0x49: {  	[sflag:s24] =	ssyncset.done $0x0  }
0x4a: {  	s12 =	sadd.s32 $0x3E80, s1;
	[sflag:s24] =	ssyncadd.s32 $0xFFFF9C00  }
0x4b: {  	[tilespmem:s13], [sflag:$0x2] =	stream.linear.gather [hbm4b:s12+s3], $0x6400, $0x38;
	[tilespmem:$0x1B980] =	vst v63  }
0x4c: {  	_ =	swait.ge [sflag:s25], $0x6400  }
0x4d: {  	[sflag:s25] =	ssyncset.done $0x0  }
0x4e: {  	p2 =	por $0x0, $0x0;
	s28 =	simm.s32 $0x19258;
	[sflag:s25] =	ssyncadd.s32 $0xFFFF9C00  }
0x4f: {  	[tilespmem:s20], [sflag:$0x9] =	stream.indirect.gather.add.f32 [spmem:s2], $0x80, s28, s18, $0xb8;
	[tilespmem:$0x1B980] =	vst v63  }
0x50: {  	s0 =	simm.s32 $0x3200;
	s26 =	sadd.s32 $0x2580, s26;
	_ =	swait.ge [sflag:s19], $0x6400  }
0x51: {  	s1 =	simm.s32 $0x19578;
	s12 =	simm.s32 $0x6400;
	[sflag:s19] =	ssyncset.done $0x0  }
.LBB2_2:
0x52: {  	s28 =	simm.s32 @!p2 $0x7  }
0x53: {  	[sflag:s19] =	ssyncadd.s32 $0xFFFF9C00;
	s4 =	smov.u32 s12;
	s12 =	sadd.s32 $0x3200, s12  }
0x54: {  	[hbm4b:s26+s3] =	stream.linear.scatter [tilespmem:s20], [sflag:$0x8], $0x6400, $0x38;
	[tilespmem:$0x1B980] =	vst v63  }
0x55: {  	p1 =	sne.s32 s12, $0x25800;
	_ =	swait.ge @!p2 [sflag:s28], $0x6400  }
0x56: {  	s26 =	sadd.s32 s0, s11;
	[sflag:s28] =	ssyncset.done @!p2 $0x0  }
0x57: {  	[sflag:s28] =	ssyncadd.s32 @!p2 $0xFFFF9C00;
	s28 =	sadd.s32 $0x1900, s26  }
0x58: {  	[tilespmem:s16], [sflag:$0x3] =	stream.linear.gather [hbm4b:s28+s3], $0x6400, $0x38;
	[tilespmem:$0x1B980] =	vst v63  }
0x59: {  	_ =	swait.ge [sflag:s17], $0x6400  }
0x5a: {  	[sflag:s17] =	ssyncset.done $0x0  }
0x5b: {  	s28 =	sadd.s32 $0xFFFFFDA8, s1;
	[sflag:s17] =	ssyncadd.s32 $0xFFFF9C00  }
0x5c: {  	[tilespmem:s3], [sflag:$0x9] =	stream.indirect.gather.add.f32 [spmem:s2], $0x80, s28, s18, $0xb8;
	[tilespmem:$0x1B980] =	vst v63  }
0x5d: {  	_ =	swait.ge [sflag:s19], $0x6400  }
0x5e: {  	[sflag:s19] =	ssyncset.done $0x0  }
0x5f: {  	s5 =	simm.s32 @!p2 $0x8;
	s28 =	sadd.s32 s0, s10;
	[sflag:s19] =	ssyncadd.s32 $0xFFFF9C00  }
0x60: {  	[hbm4b:s28+s3] =	stream.linear.scatter [tilespmem:s3], [sflag:$0x5], $0x6400, $0x38;
	[tilespmem:$0x1B980] =	vst v63  }
0x61: {  	s0 =	smov.u32 s4;
	_ =	swait.ge @!p2 [sflag:s5], $0x6400  }
0x62: {  	[sflag:s5] =	ssyncset.done @!p2 $0x0  }
0x63: {  	s4 =	sadd.s32 $0x2580, s26;
	[sflag:s5] =	ssyncadd.s32 @!p2 $0xFFFF9C00  }
0x64: {  	[tilespmem:s20], [sflag:$0x4] =	stream.linear.gather [hbm4b:s4+s3], $0x6400, $0x38;
	[tilespmem:$0x1B980] =	vst v63  }
0x65: {  	_ =	swait.ge [sflag:s21], $0x6400  }
0x66: {  	[sflag:s21] =	ssyncset.done $0x0  }
0x67: {  	s4 =	sadd.s32 $0xFFFFFE70, s1;
	[sflag:s21] =	ssyncadd.s32 $0xFFFF9C00  }
0x68: {  	[tilespmem:s13], [sflag:$0x9] =	stream.indirect.gather.add.f32 [spmem:s2], $0x80, s4, s18, $0xb8;
	[tilespmem:$0x1B980] =	vst v63  }
0x69: {  	_ =	swait.ge [sflag:s19], $0x6400  }
0x6a: {  	[sflag:s19] =	ssyncset.done $0x0  }
0x6b: {  	s4 =	sadd.s32 $0xC80, s28;
	[sflag:s19] =	ssyncadd.s32 $0xFFFF9C00  }
0x6c: {  	[hbm4b:s4+s3] =	stream.linear.scatter [tilespmem:s13], [sflag:$0x6], $0x6400, $0x38;
	[tilespmem:$0x1B980] =	vst v63  }
0x6d: {  	_ =	swait.ge [sflag:s22], $0x6400  }
0x6e: {  	[sflag:s22] =	ssyncset.done $0x0  }
0x6f: {  	s4 =	sadd.s32 $0x3200, s26;
	[sflag:s22] =	ssyncadd.s32 $0xFFFF9C00  }
0x70: {  	[tilespmem:s3], [sflag:$0x1] =	stream.linear.gather [hbm4b:s4+s3], $0x6400, $0x38;
	[tilespmem:$0x1B980] =	vst v63  }
0x71: {  	_ =	swait.ge [sflag:s23], $0x6400  }
0x72: {  	[sflag:s23] =	ssyncset.done $0x0  }
0x73: {  	s4 =	sadd.s32 $0xFFFFFF38, s1;
	[sflag:s23] =	ssyncadd.s32 $0xFFFF9C00  }
0x74: {  	[tilespmem:s16], [sflag:$0x9] =	stream.indirect.gather.add.f32 [spmem:s2], $0x80, s4, s18, $0xb8;
	[tilespmem:$0x1B980] =	vst v63  }
0x75: {  	_ =	swait.ge [sflag:s19], $0x6400  }
0x76: {  	[sflag:s19] =	ssyncset.done $0x0  }
0x77: {  	s4 =	sadd.s32 $0x1900, s28;
	[sflag:s19] =	ssyncadd.s32 $0xFFFF9C00  }
0x78: {  	[hbm4b:s4+s3] =	stream.linear.scatter [tilespmem:s16], [sflag:$0x7], $0x6400, $0x38;
	[tilespmem:$0x1B980] =	vst v63  }
0x79: {  	_ =	swait.ge [sflag:s24], $0x6400  }
0x7a: {  	[sflag:s24] =	ssyncset.done $0x0  }
0x7b: {  	s4 =	sadd.s32 $0x3E80, s26;
	[sflag:s24] =	ssyncadd.s32 $0xFFFF9C00  }
0x7c: {  	[tilespmem:s13], [sflag:$0x2] =	stream.linear.gather [hbm4b:s4+s3], $0x6400, $0x38;
	[tilespmem:$0x1B980] =	vst v63  }
0x7d: {  	_ =	swait.ge [sflag:s25], $0x6400  }
.Ltmp0:
0x7e: {  	[sflag:s25] =	ssyncset.done $0x0;
	(pc) =	sbr.rel @p1 .LBB2_2-.Ltmp0, $4  }
0x7f: {  	[sflag:s25] =	ssyncadd.s32 $0xFFFF9C00  }
0x80: {  	[tilespmem:s20], [sflag:$0x9] =	stream.indirect.gather.add.f32 [spmem:s2], $0x80, s1, s18, $0xb8;
	[tilespmem:$0x1B980] =	vst v63  }
0x81: {  	s1 =	sadd.s32 $0x320, s1;
	_ =	swait.ge [sflag:s19], $0x6400  }
0x82: {  	p2 =	seq.s32 s0, $0x0;
	s26 =	sadd.s32 $0x2580, s28;
	[sflag:s19] =	ssyncset.done $0x0  }
0x83: {  	s4 =	simm.s32 @!p2 $0x7;
	[sflag:s19] =	ssyncadd.s32 $0xFFFF9C00  }
0x84: {  	[hbm4b:s26+s3] =	stream.linear.scatter [tilespmem:s20], [sflag:$0x8], $0x6400, $0x38;
	[tilespmem:$0x1B980] =	vst v63  }
0x85: {  	_ =	swait.ge @!p2 [sflag:s4], $0x6400  }
0x86: {  	s5 =	sadd.s32 s0, s11;
	[sflag:s4] =	ssyncset.done @!p2 $0x0  }
0x87: {  	s26 =	sadd.s32 $0x1900, s5;
	[sflag:s4] =	ssyncadd.s32 @!p2 $0xFFFF9C00  }
0x88: {  	[tilespmem:s16], [sflag:$0x3] =	stream.linear.gather [hbm4b:s26+s3], $0x6400, $0x38;
	[tilespmem:$0x1B980] =	vst v63  }
0x89: {  	_ =	swait.ge [sflag:s17], $0x6400  }
0x8a: {  	[sflag:s17] =	ssyncset.done $0x0  }
0x8b: {  	s28 =	sadd.s32 $0xFFFFFDA8, s1;
	[sflag:s17] =	ssyncadd.s32 $0xFFFF9C00  }
0x8c: {  	[tilespmem:s3], [sflag:$0x9] =	stream.indirect.gather.add.f32 [spmem:s2], $0x80, s28, s18, $0xb8;
	[tilespmem:$0x1B980] =	vst v63  }
0x8d: {  	_ =	swait.ge [sflag:s19], $0x6400  }
0x8e: {  	[sflag:s19] =	ssyncset.done $0x0  }
0x8f: {  	s0 =	sadd.s32 s0, s10;
	s4 =	simm.s32 @!p2 $0x8;
	[sflag:s19] =	ssyncadd.s32 $0xFFFF9C00  }
0x90: {  	[hbm4b:s0+s3] =	stream.linear.scatter [tilespmem:s3], [sflag:$0x5], $0x6400, $0x38;
	[tilespmem:$0x1B980] =	vst v63  }
0x91: {  	_ =	swait.ge @!p2 [sflag:s4], $0x6400  }
0x92: {  	[sflag:s4] =	ssyncset.done @!p2 $0x0  }
0x93: {  	s12 =	sadd.s32 $0x2580, s5;
	[sflag:s4] =	ssyncadd.s32 @!p2 $0xFFFF9C00  }
0x94: {  	[tilespmem:s20], [sflag:$0x4] =	stream.linear.gather [hbm4b:s12+s3], $0x6400, $0x38;
	[tilespmem:$0x1B980] =	vst v63  }
0x95: {  	_ =	swait.ge [sflag:s21], $0x6400  }
0x96: {  	[sflag:s21] =	ssyncset.done $0x0  }
0x97: {  	s26 =	sadd.s32 $0xFFFFFE70, s1;
	[sflag:s21] =	ssyncadd.s32 $0xFFFF9C00  }
0x98: {  	[tilespmem:s13], [sflag:$0x9] =	stream.indirect.gather.add.f32 [spmem:s2], $0x80, s26, s18, $0xb8;
	[tilespmem:$0x1B980] =	vst v63  }
0x99: {  	_ =	swait.ge [sflag:s19], $0x6400  }
0x9a: {  	[sflag:s19] =	ssyncset.done $0x0  }
0x9b: {  	s28 =	sadd.s32 $0xC80, s0;
	[sflag:s19] =	ssyncadd.s32 $0xFFFF9C00  }
0x9c: {  	[hbm4b:s28+s3] =	stream.linear.scatter [tilespmem:s13], [sflag:$0x6], $0x6400, $0x38;
	[tilespmem:$0x1B980] =	vst v63  }
0x9d: {  	_ =	swait.ge [sflag:s22], $0x6400  }
0x9e: {  	[sflag:s22] =	ssyncset.done $0x0  }
0x9f: {  	s12 =	sadd.s32 $0x3200, s5;
	[sflag:s22] =	ssyncadd.s32 $0xFFFF9C00  }
0xa0: {  	[tilespmem:s3], [sflag:$0x1] =	stream.linear.gather [hbm4b:s12+s3], $0x6400, $0x38;
	[tilespmem:$0x1B980] =	vst v63  }
0xa1: {  	_ =	swait.ge [sflag:s23], $0x6400  }
0xa2: {  	[sflag:s23] =	ssyncset.done $0x0  }
0xa3: {  	s26 =	sadd.s32 $0xFFFFFF38, s1;
	[sflag:s23] =	ssyncadd.s32 $0xFFFF9C00  }
0xa4: {  	[tilespmem:s16], [sflag:$0x9] =	stream.indirect.gather.add.f32 [spmem:s2], $0x80, s26, s18, $0xb8;
	[tilespmem:$0x1B980] =	vst v63  }
0xa5: {  	_ =	swait.ge [sflag:s19], $0x6400  }
0xa6: {  	[sflag:s19] =	ssyncset.done $0x0  }
0xa7: {  	s28 =	sadd.s32 $0x1900, s0;
	[sflag:s19] =	ssyncadd.s32 $0xFFFF9C00  }
0xa8: {  	[hbm4b:s28+s3] =	stream.linear.scatter [tilespmem:s16], [sflag:$0x7], $0x6400, $0x38;
	[tilespmem:$0x1B980] =	vst v63  }
0xa9: {  	_ =	swait.ge [sflag:s24], $0x6400  }
0xaa: {  	[sflag:s24] =	ssyncset.done $0x0  }
0xab: {  	s12 =	sadd.s32 $0x3E80, s5;
	[sflag:s24] =	ssyncadd.s32 $0xFFFF9C00  }
0xac: {  	[tilespmem:s13], [sflag:$0x2] =	stream.linear.gather [hbm4b:s12+s3], $0x6400, $0x38;
	[tilespmem:$0x1B980] =	vst v63  }
0xad: {  	_ =	swait.ge [sflag:s25], $0x6400  }
0xae: {  	[sflag:s25] =	ssyncset.done $0x0  }
0xaf: {  	[sflag:s25] =	ssyncadd.s32 $0xFFFF9C00  }
0xb0: {  	[tilespmem:s20], [sflag:$0x9] =	stream.indirect.gather.add.f32 [spmem:s2], $0x80, s1, s18, $0xb8;
	[tilespmem:$0x1B980] =	vst v63  }
0xb1: {  	_ =	swait.ge [sflag:s19], $0x6400  }
0xb2: {  	[sflag:s19] =	ssyncset.done $0x0  }
0xb3: {  	s0 =	sadd.s32 $0x2580, s0;
	[sflag:s19] =	ssyncadd.s32 $0xFFFF9C00  }
0xb4: {  	[hbm4b:s0+s3] =	stream.linear.scatter [tilespmem:s20], [sflag:$0x8], $0x6400, $0x38;
	[tilespmem:$0x1B980] =	vst v63  }
0xb5: {  	_ =	swait.ge [sflag:s17], $0x6400  }
0xb6: {  	[sflag:s17] =	ssyncset.done $0x0  }
0xb7: {  	s26 =	simm.s32 $0x1B580;
	[sflag:s17] =	ssyncadd.s32 $0xFFFF9C00  }
0xb8: {  	[tilespmem:s3], [sflag:$0x9] =	stream.indirect.gather.add.f32 [spmem:s2], $0x80, s26, s18, $0xb8;
	[tilespmem:$0x1B980] =	vst v63  }
0xb9: {  	_ =	swait.ge [sflag:s19], $0x6400  }
0xba: {  	[sflag:s19] =	ssyncset.done $0x0  }
0xbb: {  	[sflag:s19] =	ssyncadd.s32 $0xFFFF9C00  }
0xbc: {  	[hbm4b:s7+s3] =	stream.linear.scatter [tilespmem:s3], [sflag:$0x5], $0x6400, $0x38;
	[tilespmem:$0x1B980] =	vst v63  }
0xbd: {  	_ =	swait.ge [sflag:s21], $0x6400  }
0xbe: {  	[sflag:s21] =	ssyncset.done $0x0  }
0xbf: {  	s28 =	simm.s32 $0x1B648;
	[sflag:s21] =	ssyncadd.s32 $0xFFFF9C00  }
0xc0: {  	[tilespmem:s13], [sflag:$0x9] =	stream.indirect.gather.add.f32 [spmem:s2], $0x80, s28, s18, $0xb8;
	[tilespmem:$0x1B980] =	vst v63  }
0xc1: {  	_ =	swait.ge [sflag:s19], $0x6400  }
0xc2: {  	[sflag:s19] =	ssyncset.done $0x0  }
0xc3: {  	[sflag:s19] =	ssyncadd.s32 $0xFFFF9C00  }
0xc4: {  	[hbm4b:s8+s3] =	stream.linear.scatter [tilespmem:s13], [sflag:$0x6], $0x6400, $0x38;
	[tilespmem:$0x1B980] =	vst v63  }
0xc5: {  	_ =	swait.ge [sflag:s22], $0x6400  }
0xc6: {  	[sflag:s22] =	ssyncset.done $0x0  }
0xc7: {  	[sflag:s22] =	ssyncadd.s32 $0xFFFF9C00  }
0xc8: {  	_ =	swait.ge [sflag:s24], $0x6400  }
0xc9: {  	[sflag:s24] =	ssyncset.done $0x0  }
0xca: {  	s31 =	sadd.s32 $0x1, s31;
	[sflag:s24] =	ssyncadd.s32 $0xFFFF9C00  }
0xcb: {  	p1 =	sne.s32 s31, s9;
	_ =	swait.ge [sflag:s29], $0x6400  }
.Ltmp1:
0xcc: {  	[sflag:s29] =	ssyncset.done $0x0;
	(pc) =	sbr.rel @p1 .LBB2_1-.Ltmp1, $4  }
0xcd: {  	[sflag:s29] =	ssyncadd.s32 $0xFFFF9C00  }
0xce: {  	_ =	swait.ge [sflag:s30], $0x6400  }
0xcf: {  	[sflag:s30] =	ssyncset.done $0x0  }
0xd0: {  	[sflag:s30] =	ssyncadd.s32 $0xFFFF9C00  }
0xd1: {  	_ =	sfence.sel $0x180000  }
0xd2: {  	[bflag:$0x0] =	sbarrier.arrive $0xFFFF  }
0xd3: {  	_ =	strace $0x90000047  }
0xd4: {  	[bflag:$0x2] =	sbarrier.arrive $0xFFFF  }
0xd5: {  	s0 =	rddreg [dreg:$0x5]  }
0xd6: {  	s0 =	sadd.s32 @!p0 $0x100000, s0  }
0xd7: {  	[sflag:s0] =	ssyncadd.tile.s32 @!p0 $0x1;
	_ =	shalt  }
.Lfunc_end2:
_tile_overlayer_lowered:
.L_overlay_start_2:
0xd8: {  	(tag) =	ssettag $0x2  }
0xd9: {  	s0 =	rddreg [dreg:$0x0];
	s2 =	stileid.u32  }
0xda: {  	s1 =	rddreg [dreg:$0x1];
	p0 =	sne.s32 s2, $0x0  }
0xdb: {  	s3 =	rddreg [dreg:$0x2];
	[bflag:$0x3] =	sbarrier.arrive $0xFFFF;
	s2 =	simm.s32 @!p0 $0x1C0B  }
0xdc: {  	[timem:s3], [sflag:s2] =	dma.local @!p0 [hbm:s0], s1  }
0xdd: {  	s0 =	simm.s32 @!p0 $0xB  }
0xde: {  	_ =	swait.ge @!p0 [sflag:s0], s1  }
0xdf: {  	s1 =	ssub.s32 @!p0 $0x0, s1;
	[sflag:s0] =	ssyncset.done @!p0 $0x0  }
0xe0: {  	[sflag:s0] =	ssyncadd.s32 @!p0 s1  }
0xe1: {  	[bflag:$0x3] =	sbarrier.arrive $0xFFFF  }
0xe2: {  	_ =	shalt  }

</sc_bundles>
